<compile_context>
chip_gen: v7x
topology: tpu7x:2x2x1
jax: 0.10.2.dev20260603
libtpu: 0.0.44.dev20260713+nightly
codegen_flags: <defaults>
</compile_context>

<pallas_src>
import jax
import jax.numpy as jnp
from jax import lax
from jax.experimental import pallas as pl
from jax.experimental.pallas import tpu as pltpu
from jax.experimental.pallas import tpu_sc as plsc

NC = 2
NS = 16
NW = NC * NS
LANES = 16

N_NODES = 10000
N_EDGES = 320000
F = 128

EPT = N_EDGES // NW
CHUNK = 80
NCHUNK_A = EPT // CHUNK
ZROWS = 640
TBL = NS * ZROWS

_mesh = plsc.VectorSubcoreMesh(core_axis_name="c", subcore_axis_name="s")
_cparams = pltpu.CompilerParams(needs_layout_passes=False)


def _scatter_body(edge_hbm, src_hbm, z128_hbm, zflat_hbm,
                  sums_out, cnts_out,
                  idx_v, val_v, val_b, cnt_v, sums_sh, sem0, sem1):
    c = lax.axis_index("c")
    s = lax.axis_index("s")
    w = s * NC + c
    pltpu.sync_copy(z128_hbm, val_v)
    pltpu.sync_copy(zflat_hbm, cnt_v)

    @pl.loop(0, ZROWS // CHUNK)
    def _(k):
        pltpu.sync_copy(val_v, sums_sh.at[pl.ds(s * ZROWS + k * CHUNK, CHUNK)])

    pltpu.sync_copy(src_hbm.at[w], idx_v)
    plsc.subcore_barrier()
    ebase = w * EPT
    ones = jnp.ones((LANES,), jnp.float32)

    pltpu.async_copy(edge_hbm.at[pl.ds(ebase, CHUNK)], val_v, sem0)

    @pl.loop(0, NCHUNK_A - 1, step=2)
    def _(j):
        pltpu.make_async_copy(edge_hbm.at[pl.ds(0, CHUNK)], val_v, sem0).wait()
        pltpu.async_copy(
            edge_hbm.at[pl.ds(ebase + (j + 1) * CHUNK, CHUNK)], val_b, sem1)
        pltpu.sync_copy(val_v, sums_sh.at[idx_v.at[j]], add=True)
        pltpu.make_async_copy(edge_hbm.at[pl.ds(0, CHUNK)], val_b, sem1).wait()
        pltpu.async_copy(
            edge_hbm.at[pl.ds(ebase + (j + 2) * CHUNK, CHUNK)], val_v, sem0)
        pltpu.sync_copy(val_b, sums_sh.at[idx_v.at[j + 1]], add=True)

    jl = NCHUNK_A - 1
    pltpu.make_async_copy(edge_hbm.at[pl.ds(0, CHUNK)], val_v, sem0).wait()
    pltpu.sync_copy(val_v, sums_sh.at[idx_v.at[jl]], add=True)

    @pl.loop(0, NCHUNK_A)
    def _(j):
        @pl.loop(0, CHUNK // LANES)
        def _(k):
            idx16 = idx_v[j, pl.ds(k * LANES, LANES)]
            plsc.addupdate_scatter(cnt_v, [idx16], ones)

    plsc.subcore_barrier()

    @pl.loop(0, ZROWS // CHUNK)
    def _(k):
        r = s * ZROWS + k * CHUNK
        pltpu.sync_copy(sums_sh.at[pl.ds(r, CHUNK)], val_v)
        pltpu.sync_copy(val_v, sums_out.at[c].at[pl.ds(r, CHUNK)])

    pltpu.sync_copy(cnt_v, cnts_out.at[w])


_scatter_call = pl.kernel(
    _scatter_body,
    out_type=(
        jax.ShapeDtypeStruct((NC, TBL, F), jnp.float32),
        jax.ShapeDtypeStruct((NW, N_NODES), jnp.float32),
    ),
    mesh=_mesh,
    compiler_params=_cparams,
    scratch_types=[
        pltpu.VMEM((NCHUNK_A, CHUNK), jnp.int32),
        pltpu.VMEM((CHUNK, F), jnp.float32),
        pltpu.VMEM((CHUNK, F), jnp.float32),
        pltpu.VMEM((N_NODES,), jnp.float32),
        pltpu.VMEM_SHARED((TBL, F), jnp.float32),
        pltpu.SemaphoreType.DMA,
        pltpu.SemaphoreType.DMA,
    ],
)


BN = 1024


def _dense_body(p_ref, c_ref, na_ref, w1_ref, b1_ref, w2_ref, b2_ref,
                w3_ref, b3_ref, h2_ref, st_ref):
    psum = p_ref[0] + p_ref[1]
    cnt = jnp.sum(c_ref[...], axis=0)[:, None]
    agg = psum / jnp.maximum(cnt, 1.0)
    x = jnp.concatenate([na_ref[...], agg], axis=1)
    h = jax.nn.sigmoid(
        jnp.dot(x, w1_ref[...], preferred_element_type=jnp.float32) + b1_ref[...])
    x2 = jnp.concatenate([h, agg], axis=1)
    h2 = jax.nn.sigmoid(
        jnp.dot(x2, w2_ref[...], preferred_element_type=jnp.float32) + b2_ref[...])
    h2_ref[...] = h2
    st_ref[...] = (
        jnp.dot(h2, w3_ref[...], preferred_element_type=jnp.float32) + b3_ref[...])


_dense_call = pl.pallas_call(
    _dense_body,
    grid=((N_NODES + BN - 1) // BN,),
    in_specs=[
        pl.BlockSpec((NC, BN, F), lambda i: (0, i, 0)),
        pl.BlockSpec((NW, BN), lambda i: (0, i)),
        pl.BlockSpec((BN, F), lambda i: (i, 0)),
        pl.BlockSpec((2 * F, F), lambda i: (0, 0)),
        pl.BlockSpec((1, F), lambda i: (0, 0)),
        pl.BlockSpec((2 * F, F), lambda i: (0, 0)),
        pl.BlockSpec((1, F), lambda i: (0, 0)),
        pl.BlockSpec((F, 8), lambda i: (0, 0)),
        pl.BlockSpec((1, 8), lambda i: (0, 0)),
    ],
    out_specs=[
        pl.BlockSpec((BN, F), lambda i: (i, 0)),
        pl.BlockSpec((BN, 8), lambda i: (i, 0)),
    ],
    out_shape=[
        jax.ShapeDtypeStruct((N_NODES, F), jnp.float32),
        jax.ShapeDtypeStruct((N_NODES, 8), jnp.float32),
    ],
)


def _gather_body(h2_hbm, src_hbm, dst_hbm, s_hbm, t_hbm,
                 emb_out, log_out,
                 ga0, gb0, ga1, gb1, sv_v, tv_v, srcv, dstv, logv,
                 semA0, semB0, semA1, semB1):
    c = lax.axis_index("c")
    s = lax.axis_index("s")
    w = s * NC + c
    pltpu.sync_copy(src_hbm.at[w], srcv)
    pltpu.sync_copy(dst_hbm.at[w], dstv)
    pltpu.sync_copy(s_hbm, sv_v)
    pltpu.sync_copy(t_hbm, tv_v)
    rbase = w * EPT
    dummy = h2_hbm.at[pl.ds(0, CHUNK)]

    pltpu.async_copy(h2_hbm.at[srcv.at[pl.ds(0, CHUNK)]], ga0, semA0)
    pltpu.async_copy(h2_hbm.at[dstv.at[pl.ds(0, CHUNK)]], gb0, semB0)

    @pl.loop(0, NCHUNK_A - 1, step=2)
    def _(j):
        r0 = rbase + j * CHUNK
        r1 = r0 + CHUNK
        pltpu.make_async_copy(dummy, ga0, semA0).wait()
        pltpu.async_copy(h2_hbm.at[srcv.at[pl.ds((j + 1) * CHUNK, CHUNK)]],
                         ga1, semA1)
        pltpu.sync_copy(ga0, emb_out.at[pl.ds(r0, CHUNK), pl.ds(0, F)])
        pltpu.make_async_copy(dummy, gb0, semB0).wait()
        pltpu.async_copy(h2_hbm.at[dstv.at[pl.ds((j + 1) * CHUNK, CHUNK)]],
                         gb1, semB1)
        pltpu.sync_copy(gb0, emb_out.at[pl.ds(r0, CHUNK), pl.ds(F, F)])
        pltpu.make_async_copy(dummy, ga1, semA1).wait()
        pltpu.async_copy(h2_hbm.at[srcv.at[pl.ds((j + 2) * CHUNK, CHUNK)]],
                         ga0, semA0)
        pltpu.sync_copy(ga1, emb_out.at[pl.ds(r1, CHUNK), pl.ds(0, F)])
        pltpu.make_async_copy(dummy, gb1, semB1).wait()
        pltpu.async_copy(h2_hbm.at[dstv.at[pl.ds((j + 2) * CHUNK, CHUNK)]],
                         gb0, semB0)
        pltpu.sync_copy(gb1, emb_out.at[pl.ds(r1, CHUNK), pl.ds(F, F)])

    rl = rbase + (NCHUNK_A - 1) * CHUNK
    pltpu.make_async_copy(dummy, ga0, semA0).wait()
    pltpu.sync_copy(ga0, emb_out.at[pl.ds(rl, CHUNK), pl.ds(0, F)])
    pltpu.make_async_copy(dummy, gb0, semB0).wait()
    pltpu.sync_copy(gb0, emb_out.at[pl.ds(rl, CHUNK), pl.ds(F, F)])

    @pl.loop(0, EPT // LANES)
    def _(i):
        si = srcv[pl.ds(i * LANES, LANES)]
        di = dstv[pl.ds(i * LANES, LANES)]
        vs = plsc.load_gather(sv_v, [si])
        vt = plsc.load_gather(tv_v, [di])
        logv[pl.ds(i * LANES, LANES)] = vs + vt

    pltpu.sync_copy(logv, log_out.at[pl.ds(w * EPT, EPT)])


_gather_call = pl.kernel(
    _gather_body,
    out_type=(
        jax.ShapeDtypeStruct((N_EDGES, 2 * F), jnp.float32),
        jax.ShapeDtypeStruct((N_EDGES,), jnp.float32),
    ),
    mesh=_mesh,
    compiler_params=_cparams,
    scratch_types=[
        pltpu.VMEM((CHUNK, F), jnp.float32),
        pltpu.VMEM((CHUNK, F), jnp.float32),
        pltpu.VMEM((CHUNK, F), jnp.float32),
        pltpu.VMEM((CHUNK, F), jnp.float32),
        pltpu.VMEM((N_NODES,), jnp.float32),
        pltpu.VMEM((N_NODES,), jnp.float32),
        pltpu.VMEM((EPT,), jnp.int32),
        pltpu.VMEM((EPT,), jnp.int32),
        pltpu.VMEM((EPT,), jnp.float32),
        pltpu.SemaphoreType.DMA,
        pltpu.SemaphoreType.DMA,
        pltpu.SemaphoreType.DMA,
        pltpu.SemaphoreType.DMA,
    ],
)


def kernel(edge_attr, edge_index, node_attr, W1, b1, W2, b2, W3, b3):
    src = edge_index[0, :].reshape(-1)
    dst = edge_index[1, :].reshape(-1)
    src3 = src.reshape(NW, NCHUNK_A, CHUNK)
    srcr = src.reshape(NW, EPT)
    dstr = dst.reshape(NW, EPT)
    z128 = jnp.zeros((CHUNK, F), jnp.float32)
    zflat = jnp.zeros((N_NODES,), jnp.float32)

    sums, cnts = _scatter_call(edge_attr, src3, z128, zflat)

    w3r = jnp.concatenate([W3[:F], W3[F:]], axis=1)
    w3r = jnp.pad(w3r, ((0, 0), (0, 6)))
    b3r = jnp.zeros((1, 8), jnp.float32).at[0, 0].set(b3[0])
    h2, st = _dense_call(sums, cnts, node_attr, W1, b1.reshape(1, F),
                         W2, b2.reshape(1, F), w3r, b3r)

    embeddings, logits = _gather_call(h2, srcr, dstr, st[:, 0], st[:, 1])
    return logits, embeddings

# --- scband reference (transcript-rebuilt; emitter-appended) ---
"""Pipeline reference for scband-egraph-sage-8701603742216 (READ-ONLY COPY).

The authoritative reference and input builder live on the scoring server;
editing this copy changes nothing except your own understanding.
"""

import jax, jax.numpy as jnp
import numpy as np

N = 10000
E = 320000
F = 128
H1 = 128
H2 = 128


def setup_inputs(seed: int = 0) -> dict:
    key = jax.random.key(seed)
    ks = jax.random.split(key, 10)
    edge_attr = jax.random.normal(ks[0], (E, F), dtype=jnp.float32)
    edge_index = jax.random.randint(ks[1], (2, E), 0, N, dtype=jnp.int32)
    node_attr = jax.random.normal(ks[2], (N, F), dtype=jnp.float32)
    # layer 1: Linear(in_channels + edge_features = F + F -> H1)
    W1 = jax.random.normal(ks[3], (F + F, H1), dtype=jnp.float32) * 0.05
    b1 = jnp.zeros((H1,), dtype=jnp.float32)
    # layer 2: Linear(H1 + F -> H2)
    W2 = jax.random.normal(ks[4], (H1 + F, H2), dtype=jnp.float32) * 0.05
    b2 = jnp.zeros((H2,), dtype=jnp.float32)
    # final edge classifier: Linear(2*H2 -> 1)
    W3 = jax.random.normal(ks[5], (2 * H2, 1), dtype=jnp.float32) * 0.05
    b3 = jnp.zeros((1,), dtype=jnp.float32)
    return {"edge_attr": edge_attr, "edge_index": edge_index, "node_attr": node_attr,
            "W1": W1, "b1": b1, "W2": W2, "b2": b2, "W3": W3, "b3": b3}


def _scatter_mean(vals, idx, num_segments):
    sums = jax.ops.segment_sum(vals, idx, num_segments=num_segments)
    counts = jax.ops.segment_sum(jnp.ones((vals.shape[0],), dtype=vals.dtype), idx, num_segments=num_segments)
    return sums / jnp.maximum(counts, 1.0)[:, None]


def reference(edge_attr, edge_index, node_attr, W1, b1, W2, b2, W3, b3):
    num_nodes = node_attr.shape[0]
    src = edge_index[0, :].reshape(-1)
    dst = edge_index[1, :].reshape(-1)
    # SAGE layer 1
    agg1 = _scatter_mean(edge_attr, src, num_nodes)
    h = jax.nn.sigmoid(jnp.concatenate([node_attr, agg1], axis=1) @ W1 + b1)
    # SAGE layer 2 (edge_attr unchanged between layers, per original module)
    agg2 = _scatter_mean(edge_attr, src, num_nodes)
    h2 = jax.nn.sigmoid(jnp.concatenate([h, agg2], axis=1) @ W2 + b2)
    # final edge scoring layer
    edge_embs = jnp.concatenate([h2[src], h2[dst]], axis=1)
    embeddings = jax.lax.stop_gradient(edge_embs)
    logits = (edge_embs @ W3 + b3).reshape(-1)
    return logits, embeddings

if __name__ == "__main__":
    import jax
    _d = setup_inputs()
    print(jax.jit(kernel)(*tuple(_d.values())))

</pallas_src>

<mosaic_0001>
#map = affine_map<(d0, d1) -> (0, 0)>
#map1 = affine_map<(d0, d1) -> (0)>
module attributes {stable_mosaic.version = 14 : i64} {
  func.func @_gather_body(%arg0: i32, %arg1: i32, %arg2: memref<10000x128xf32, #tpu.memory_space<hbm>>, %arg3: memref<32x10000xi32, #tpu.memory_space<hbm>>, %arg4: memref<32x10000xi32, #tpu.memory_space<hbm>>, %arg5: memref<10000xf32, #tpu.memory_space<hbm>>, %arg6: memref<10000xf32, #tpu.memory_space<hbm>>, %arg7: memref<320000x256xf32, #tpu.memory_space<hbm>>, %arg8: memref<320000xf32, #tpu.memory_space<hbm>>, %arg9: memref<80x128xf32, #tpu.memory_space<vmem>>, %arg10: memref<80x128xf32, #tpu.memory_space<vmem>>, %arg11: memref<80x128xf32, #tpu.memory_space<vmem>>, %arg12: memref<80x128xf32, #tpu.memory_space<vmem>>, %arg13: memref<10000xf32, #tpu.memory_space<vmem>>, %arg14: memref<10000xf32, #tpu.memory_space<vmem>>, %arg15: memref<10000xi32, #tpu.memory_space<vmem>>, %arg16: memref<10000xi32, #tpu.memory_space<vmem>>, %arg17: memref<10000xf32, #tpu.memory_space<vmem>>, %arg18: memref<!tpu.dma_semaphore, #tpu.memory_space<semaphore_mem>>, %arg19: memref<!tpu.dma_semaphore, #tpu.memory_space<semaphore_mem>>, %arg20: memref<!tpu.dma_semaphore, #tpu.memory_space<semaphore_mem>>, %arg21: memref<!tpu.dma_semaphore, #tpu.memory_space<semaphore_mem>>) attributes {dimension_semantics = [#tpu.dimension_semantics<core_parallel>, #tpu.dimension_semantics<subcore_parallel>], iteration_bounds = array<i64: 2, 16>, scalar_prefetch = 0 : i64, scratch_operands = 13 : i64, tpu.core_type = #tpu.core_type<sc_vector_subcore>, window_params = [{transform_indices = #map}, {transform_indices = #map}, {transform_indices = #map}, {transform_indices = #map1}, {transform_indices = #map1}, {transform_indices = #map}, {transform_indices = #map1}]} {
    %mul3A = arith.constant 2 : i32
    %mul3A_0 = arith.muli %arg1, %mul3A : i32
    %add3A = arith.addi %mul3A_0, %arg0 : i32
    "tpu.region"() ({
      %run_scoped3A = tpu.sem_alloc : memref<!tpu.dma_semaphore, #tpu.memory_space<semaphore_mem>>
      %dma_start3A_36 = arith.constant 0 : i32
      %dma_start3A_37 = tpu.memref_slice %arg3[%add3A, %dma_start3A_36] : memref<32x10000xi32, #tpu.memory_space<hbm>> -> memref<1x10000xi32, #tpu.memory_space<hbm>>
      %dma_start3A_38 = tpu.memref_squeeze %dma_start3A_37 : memref<1x10000xi32, #tpu.memory_space<hbm>> -> memref<10000xi32, #tpu.memory_space<hbm>>
      %dma_start3A_39 = arith.constant 0 : i32
      %dma_start3A_40 = tpu.memref_slice %arg3[%add3A, %dma_start3A_39] : memref<32x10000xi32, #tpu.memory_space<hbm>> -> memref<1x10000xi32, #tpu.memory_space<hbm>>
      %dma_start3A_41 = tpu.memref_squeeze %dma_start3A_40 : memref<1x10000xi32, #tpu.memory_space<hbm>> -> memref<10000xi32, #tpu.memory_space<hbm>>
      tpu.enqueue_dma source(%dma_start3A_41 : memref<10000xi32, #tpu.memory_space<hbm>>) target(%arg15 : memref<10000xi32, #tpu.memory_space<vmem>>) target_semaphore(%run_scoped3A : memref<!tpu.dma_semaphore, #tpu.memory_space<semaphore_mem>>)
      %dma_wait3A_42 = arith.constant 0 : i32
      %dma_wait3A_43 = tpu.memref_slice %arg3[%add3A, %dma_wait3A_42] : memref<32x10000xi32, #tpu.memory_space<hbm>> -> memref<1x10000xi32, #tpu.memory_space<hbm>>
      %dma_wait3A_44 = tpu.memref_squeeze %dma_wait3A_43 : memref<1x10000xi32, #tpu.memory_space<hbm>> -> memref<10000xi32, #tpu.memory_space<hbm>>
      %dma_wait3A_45 = arith.constant 0 : i32
      %dma_wait3A_46 = tpu.memref_slice %arg3[%add3A, %dma_wait3A_45] : memref<32x10000xi32, #tpu.memory_space<hbm>> -> memref<1x10000xi32, #tpu.memory_space<hbm>>
      %dma_wait3A_47 = tpu.memref_squeeze %dma_wait3A_46 : memref<1x10000xi32, #tpu.memory_space<hbm>> -> memref<10000xi32, #tpu.memory_space<hbm>>
      tpu.wait_dma2 semaphore(%run_scoped3A : memref<!tpu.dma_semaphore, #tpu.memory_space<semaphore_mem>>) src(%dma_wait3A_47 : memref<10000xi32, #tpu.memory_space<hbm>>) dst(%arg15 : memref<10000xi32, #tpu.memory_space<vmem>>)
      tpu.yield
    }) : () -> ()
    "tpu.region"() ({
      %run_scoped3A = tpu.sem_alloc : memref<!tpu.dma_semaphore, #tpu.memory_space<semaphore_mem>>
      %dma_start3A_36 = arith.constant 0 : i32
      %dma_start3A_37 = tpu.memref_slice %arg4[%add3A, %dma_start3A_36] : memref<32x10000xi32, #tpu.memory_space<hbm>> -> memref<1x10000xi32, #tpu.memory_space<hbm>>
      %dma_start3A_38 = tpu.memref_squeeze %dma_start3A_37 : memref<1x10000xi32, #tpu.memory_space<hbm>> -> memref<10000xi32, #tpu.memory_space<hbm>>
      %dma_start3A_39 = arith.constant 0 : i32
      %dma_start3A_40 = tpu.memref_slice %arg4[%add3A, %dma_start3A_39] : memref<32x10000xi32, #tpu.memory_space<hbm>> -> memref<1x10000xi32, #tpu.memory_space<hbm>>
      %dma_start3A_41 = tpu.memref_squeeze %dma_start3A_40 : memref<1x10000xi32, #tpu.memory_space<hbm>> -> memref<10000xi32, #tpu.memory_space<hbm>>
      tpu.enqueue_dma source(%dma_start3A_41 : memref<10000xi32, #tpu.memory_space<hbm>>) target(%arg16 : memref<10000xi32, #tpu.memory_space<vmem>>) target_semaphore(%run_scoped3A : memref<!tpu.dma_semaphore, #tpu.memory_space<semaphore_mem>>)
      %dma_wait3A_42 = arith.constant 0 : i32
      %dma_wait3A_43 = tpu.memref_slice %arg4[%add3A, %dma_wait3A_42] : memref<32x10000xi32, #tpu.memory_space<hbm>> -> memref<1x10000xi32, #tpu.memory_space<hbm>>
      %dma_wait3A_44 = tpu.memref_squeeze %dma_wait3A_43 : memref<1x10000xi32, #tpu.memory_space<hbm>> -> memref<10000xi32, #tpu.memory_space<hbm>>
      %dma_wait3A_45 = arith.constant 0 : i32
      %dma_wait3A_46 = tpu.memref_slice %arg4[%add3A, %dma_wait3A_45] : memref<32x10000xi32, #tpu.memory_space<hbm>> -> memref<1x10000xi32, #tpu.memory_space<hbm>>
      %dma_wait3A_47 = tpu.memref_squeeze %dma_wait3A_46 : memref<1x10000xi32, #tpu.memory_space<hbm>> -> memref<10000xi32, #tpu.memory_space<hbm>>
      tpu.wait_dma2 semaphore(%run_scoped3A : memref<!tpu.dma_semaphore, #tpu.memory_space<semaphore_mem>>) src(%dma_wait3A_47 : memref<10000xi32, #tpu.memory_space<hbm>>) dst(%arg16 : memref<10000xi32, #tpu.memory_space<vmem>>)
      tpu.yield
    }) : () -> ()
    "tpu.region"() ({
      %run_scoped3A = tpu.sem_alloc : memref<!tpu.dma_semaphore, #tpu.memory_space<semaphore_mem>>
      tpu.enqueue_dma source(%arg5 : memref<10000xf32, #tpu.memory_space<hbm>>) target(%arg13 : memref<10000xf32, #tpu.memory_space<vmem>>) target_semaphore(%run_scoped3A : memref<!tpu.dma_semaphore, #tpu.memory_space<semaphore_mem>>)
      tpu.wait_dma2 semaphore(%run_scoped3A : memref<!tpu.dma_semaphore, #tpu.memory_space<semaphore_mem>>) src(%arg5 : memref<10000xf32, #tpu.memory_space<hbm>>) dst(%arg13 : memref<10000xf32, #tpu.memory_space<vmem>>)
      tpu.yield
    }) : () -> ()
    "tpu.region"() ({
      %run_scoped3A = tpu.sem_alloc : memref<!tpu.dma_semaphore, #tpu.memory_space<semaphore_mem>>
      tpu.enqueue_dma source(%arg6 : memref<10000xf32, #tpu.memory_space<hbm>>) target(%arg14 : memref<10000xf32, #tpu.memory_space<vmem>>) target_semaphore(%run_scoped3A : memref<!tpu.dma_semaphore, #tpu.memory_space<semaphore_mem>>)
      tpu.wait_dma2 semaphore(%run_scoped3A : memref<!tpu.dma_semaphore, #tpu.memory_space<semaphore_mem>>) src(%arg6 : memref<10000xf32, #tpu.memory_space<hbm>>) dst(%arg14 : memref<10000xf32, #tpu.memory_space<vmem>>)
      tpu.yield
    }) : () -> ()
    %mul3A_1 = arith.constant 10000 : i32
    %mul3A_2 = arith.muli %add3A, %mul3A_1 : i32
    %dma_start3A = arith.constant 0 : i32
    %dma_start3A_3 = tpu.memref_slice %arg15[%dma_start3A] : memref<10000xi32, #tpu.memory_space<vmem>> -> memref<80xi32, #tpu.memory_space<vmem>>
    %dma_start3A_4 = arith.constant 0 : i32
    %dma_start3A_5 = arith.constant 0 : i32
    %dma_start3A_6 = tpu.memref_slice %arg2[%dma_start3A_4, %dma_start3A_5] : memref<10000x128xf32, #tpu.memory_space<hbm>> -> memref<10000x128xf32, #tpu.memory_space<hbm>>
    tpu.enqueue_indirect_dma source(%dma_start3A_6 : memref<10000x128xf32, #tpu.memory_space<hbm>>) target(%arg9 : memref<80x128xf32, #tpu.memory_space<vmem>>) offsets(%dma_start3A_3 : memref<80xi32, #tpu.memory_space<vmem>>) semaphore(%arg18 : memref<!tpu.dma_semaphore, #tpu.memory_space<semaphore_mem>>)
    %dma_start3A_7 = arith.constant 0 : i32
    %dma_start3A_8 = tpu.memref_slice %arg16[%dma_start3A_7] : memref<10000xi32, #tpu.memory_space<vmem>> -> memref<80xi32, #tpu.memory_space<vmem>>
    %dma_start3A_9 = arith.constant 0 : i32
    %dma_start3A_10 = arith.constant 0 : i32
    %dma_start3A_11 = tpu.memref_slice %arg2[%dma_start3A_9, %dma_start3A_10] : memref<10000x128xf32, #tpu.memory_space<hbm>> -> memref<10000x128xf32, #tpu.memory_space<hbm>>
    tpu.enqueue_indirect_dma source(%dma_start3A_11 : memref<10000x128xf32, #tpu.memory_space<hbm>>) target(%arg10 : memref<80x128xf32, #tpu.memory_space<vmem>>) offsets(%dma_start3A_8 : memref<80xi32, #tpu.memory_space<vmem>>) semaphore(%arg19 : memref<!tpu.dma_semaphore, #tpu.memory_space<semaphore_mem>>)
    %scan3A = arith.constant 0 : i32
    %scan3A_12 = arith.constant 62 : i32
    %scan3A_13 = arith.addi %scan3A, %scan3A_12 : i32
    %scan3A_14 = arith.constant 1 : i32
    scf.for %scan3A_36 = %scan3A to %scan3A_13 step %scan3A_14  : i32 {
      %mul3A_37 = arith.constant 2 : i32
      %mul3A_38 = arith.muli %scan3A_36, %mul3A_37 : i32
      %add3A_39 = arith.constant 0 : i32
      %add3A_40 = arith.addi %add3A_39, %mul3A_38 : i32
      %mul3A_41 = arith.constant 80 : i32
      %mul3A_42 = arith.muli %add3A_40, %mul3A_41 : i32
      %add3A_43 = arith.addi %mul3A_2, %mul3A_42 : i32
      %add3A_44 = arith.constant 80 : i32
      %add3A_45 = arith.addi %add3A_43, %add3A_44 : i32
      %dma_wait3A_46 = arith.constant 0 : i32
      %dma_wait3A_47 = arith.constant 0 : i32
      %dma_wait3A_48 = tpu.memref_slice %arg2[%dma_wait3A_46, %dma_wait3A_47] : memref<10000x128xf32, #tpu.memory_space<hbm>> -> memref<80x128xf32, #tpu.memory_space<hbm>>
      %dma_wait3A_49 = arith.constant 0 : i32
      %dma_wait3A_50 = arith.constant 0 : i32
      %dma_wait3A_51 = tpu.memref_slice %arg2[%dma_wait3A_49, %dma_wait3A_50] : memref<10000x128xf32, #tpu.memory_space<hbm>> -> memref<80x128xf32, #tpu.memory_space<hbm>>
      tpu.wait_dma2 semaphore(%arg18 : memref<!tpu.dma_semaphore, #tpu.memory_space<semaphore_mem>>) src(%dma_wait3A_51 : memref<80x128xf32, #tpu.memory_space<hbm>>) dst(%arg9 : memref<80x128xf32, #tpu.memory_space<vmem>>)
      %add3A_52 = arith.constant 1 : i32
      %add3A_53 = arith.addi %add3A_40, %add3A_52 : i32
      %mul3A_54 = arith.constant 80 : i32
      %mul3A_55 = arith.muli %add3A_53, %mul3A_54 : i32
      %dma_start3A_56 = tpu.memref_slice %arg15[%mul3A_55] : memref<10000xi32, #tpu.memory_space<vmem>> -> memref<80xi32, #tpu.memory_space<vmem>>
      %dma_start3A_57 = arith.constant 0 : i32
      %dma_start3A_58 = arith.constant 0 : i32
      %dma_start3A_59 = tpu.memref_slice %arg2[%dma_start3A_57, %dma_start3A_58] : memref<10000x128xf32, #tpu.memory_space<hbm>> -> memref<10000x128xf32, #tpu.memory_space<hbm>>
      tpu.enqueue_indirect_dma source(%dma_start3A_59 : memref<10000x128xf32, #tpu.memory_space<hbm>>) target(%arg11 : memref<80x128xf32, #tpu.memory_space<vmem>>) offsets(%dma_start3A_56 : memref<80xi32, #tpu.memory_space<vmem>>) semaphore(%arg20 : memref<!tpu.dma_semaphore, #tpu.memory_space<semaphore_mem>>)
      "tpu.region"() ({
        %run_scoped3A = tpu.sem_alloc : memref<!tpu.dma_semaphore, #tpu.memory_space<semaphore_mem>>
        %dma_start3A_102 = arith.constant 0 : i32
        %dma_start3A_103 = tpu.memref_slice %arg7[%add3A_43, %dma_start3A_102] : memref<320000x256xf32, #tpu.memory_space<hbm>> -> memref<80x128xf32, #tpu.memory_space<hbm>>
        %dma_start3A_104 = arith.constant 0 : i32
        %dma_start3A_105 = tpu.memref_slice %arg7[%add3A_43, %dma_start3A_104] : memref<320000x256xf32, #tpu.memory_space<hbm>> -> memref<80x128xf32, #tpu.memory_space<hbm>>
        tpu.enqueue_dma source(%arg9 : memref<80x128xf32, #tpu.memory_space<vmem>>) target(%dma_start3A_105 : memref<80x128xf32, #tpu.memory_space<hbm>>) target_semaphore(%run_scoped3A : memref<!tpu.dma_semaphore, #tpu.memory_space<semaphore_mem>>)
        %dma_wait3A_106 = arith.constant 0 : i32
        %dma_wait3A_107 = tpu.memref_slice %arg7[%add3A_43, %dma_wait3A_106] : memref<320000x256xf32, #tpu.memory_space<hbm>> -> memref<80x128xf32, #tpu.memory_space<hbm>>
        %dma_wait3A_108 = arith.constant 0 : i32
        %dma_wait3A_109 = tpu.memref_slice %arg7[%add3A_43, %dma_wait3A_108] : memref<320000x256xf32, #tpu.memory_space<hbm>> -> memref<80x128xf32, #tpu.memory_space<hbm>>
        tpu.wait_dma2 semaphore(%run_scoped3A : memref<!tpu.dma_semaphore, #tpu.memory_space<semaphore_mem>>) src(%arg9 : memref<80x128xf32, #tpu.memory_space<vmem>>) dst(%dma_wait3A_109 : memref<80x128xf32, #tpu.memory_space<hbm>>)
        tpu.yield
      }) : () -> ()
      %dma_wait3A_60 = arith.constant 0 : i32
      %dma_wait3A_61 = arith.constant 0 : i32
      %dma_wait3A_62 = tpu.memref_slice %arg2[%dma_wait3A_60, %dma_wait3A_61] : memref<10000x128xf32, #tpu.memory_space<hbm>> -> memref<80x128xf32, #tpu.memory_space<hbm>>
      %dma_wait3A_63 = arith.constant 0 : i32
      %dma_wait3A_64 = arith.constant 0 : i32
      %dma_wait3A_65 = tpu.memref_slice %arg2[%dma_wait3A_63, %dma_wait3A_64] : memref<10000x128xf32, #tpu.memory_space<hbm>> -> memref<80x128xf32, #tpu.memory_space<hbm>>
      tpu.wait_dma2 semaphore(%arg19 : memref<!tpu.dma_semaphore, #tpu.memory_space<semaphore_mem>>) src(%dma_wait3A_65 : memref<80x128xf32, #tpu.memory_space<hbm>>) dst(%arg10 : memref<80x128xf32, #tpu.memory_space<vmem>>)
      %add3A_66 = arith.constant 1 : i32
      %add3A_67 = arith.addi %add3A_40, %add3A_66 : i32
      %mul3A_68 = arith.constant 80 : i32
      %mul3A_69 = arith.muli %add3A_67, %mul3A_68 : i32
      %dma_start3A_70 = tpu.memref_slice %arg16[%mul3A_69] : memref<10000xi32, #tpu.memory_space<vmem>> -> memref<80xi32, #tpu.memory_space<vmem>>
      %dma_start3A_71 = arith.constant 0 : i32
      %dma_start3A_72 = arith.constant 0 : i32
      %dma_start3A_73 = tpu.memref_slice %arg2[%dma_start3A_71, %dma_start3A_72] : memref<10000x128xf32, #tpu.memory_space<hbm>> -> memref<10000x128xf32, #tpu.memory_space<hbm>>
      tpu.enqueue_indirect_dma source(%dma_start3A_73 : memref<10000x128xf32, #tpu.memory_space<hbm>>) target(%arg12 : memref<80x128xf32, #tpu.memory_space<vmem>>) offsets(%dma_start3A_70 : memref<80xi32, #tpu.memory_space<vmem>>) semaphore(%arg21 : memref<!tpu.dma_semaphore, #tpu.memory_space<semaphore_mem>>)
      "tpu.region"() ({
        %run_scoped3A = tpu.sem_alloc : memref<!tpu.dma_semaphore, #tpu.memory_space<semaphore_mem>>
        %dma_start3A_102 = arith.constant 128 : i32
        %dma_start3A_103 = tpu.memref_slice %arg7[%add3A_43, %dma_start3A_102] : memref<320000x256xf32, #tpu.memory_space<hbm>> -> memref<80x128xf32, #tpu.memory_space<hbm>>
        %dma_start3A_104 = arith.constant 128 : i32
        %dma_start3A_105 = tpu.memref_slice %arg7[%add3A_43, %dma_start3A_104] : memref<320000x256xf32, #tpu.memory_space<hbm>> -> memref<80x128xf32, #tpu.memory_space<hbm>>
        tpu.enqueue_dma source(%arg10 : memref<80x128xf32, #tpu.memory_space<vmem>>) target(%dma_start3A_105 : memref<80x128xf32, #tpu.memory_space<hbm>>) target_semaphore(%run_scoped3A : memref<!tpu.dma_semaphore, #tpu.memory_space<semaphore_mem>>)
        %dma_wait3A_106 = arith.constant 128 : i32
        %dma_wait3A_107 = tpu.memref_slice %arg7[%add3A_43, %dma_wait3A_106] : memref<320000x256xf32, #tpu.memory_space<hbm>> -> memref<80x128xf32, #tpu.memory_space<hbm>>
        %dma_wait3A_108 = arith.constant 128 : i32
        %dma_wait3A_109 = tpu.memref_slice %arg7[%add3A_43, %dma_wait3A_108] : memref<320000x256xf32, #tpu.memory_space<hbm>> -> memref<80x128xf32, #tpu.memory_space<hbm>>
        tpu.wait_dma2 semaphore(%run_scoped3A : memref<!tpu.dma_semaphore, #tpu.memory_space<semaphore_mem>>) src(%arg10 : memref<80x128xf32, #tpu.memory_space<vmem>>) dst(%dma_wait3A_109 : memref<80x128xf32, #tpu.memory_space<hbm>>)
        tpu.yield
      }) : () -> ()
      %dma_wait3A_74 = arith.constant 0 : i32
      %dma_wait3A_75 = arith.constant 0 : i32
      %dma_wait3A_76 = tpu.memref_slice %arg2[%dma_wait3A_74, %dma_wait3A_75] : memref<10000x128xf32, #tpu.memory_space<hbm>> -> memref<80x128xf32, #tpu.memory_space<hbm>>
      %dma_wait3A_77 = arith.constant 0 : i32
      %dma_wait3A_78 = arith.constant 0 : i32
      %dma_wait3A_79 = tpu.memref_slice %arg2[%dma_wait3A_77, %dma_wait3A_78] : memref<10000x128xf32, #tpu.memory_space<hbm>> -> memref<80x128xf32, #tpu.memory_space<hbm>>
      tpu.wait_dma2 semaphore(%arg20 : memref<!tpu.dma_semaphore, #tpu.memory_space<semaphore_mem>>) src(%dma_wait3A_79 : memref<80x128xf32, #tpu.memory_space<hbm>>) dst(%arg11 : memref<80x128xf32, #tpu.memory_space<vmem>>)
      %add3A_80 = arith.constant 2 : i32
      %add3A_81 = arith.addi %add3A_40, %add3A_80 : i32
      %mul3A_82 = arith.constant 80 : i32
      %mul3A_83 = arith.muli %add3A_81, %mul3A_82 : i32
      %dma_start3A_84 = tpu.memref_slice %arg15[%mul3A_83] : memref<10000xi32, #tpu.memory_space<vmem>> -> memref<80xi32, #tpu.memory_space<vmem>>
      %dma_start3A_85 = arith.constant 0 : i32
      %dma_start3A_86 = arith.constant 0 : i32
      %dma_start3A_87 = tpu.memref_slice %arg2[%dma_start3A_85, %dma_start3A_86] : memref<10000x128xf32, #tpu.memory_space<hbm>> -> memref<10000x128xf32, #tpu.memory_space<hbm>>
      tpu.enqueue_indirect_dma source(%dma_start3A_87 : memref<10000x128xf32, #tpu.memory_space<hbm>>) target(%arg9 : memref<80x128xf32, #tpu.memory_space<vmem>>) offsets(%dma_start3A_84 : memref<80xi32, #tpu.memory_space<vmem>>) semaphore(%arg18 : memref<!tpu.dma_semaphore, #tpu.memory_space<semaphore_mem>>)
      "tpu.region"() ({
        %run_scoped3A = tpu.sem_alloc : memref<!tpu.dma_semaphore, #tpu.memory_space<semaphore_mem>>
        %dma_start3A_102 = arith.constant 0 : i32
        %dma_start3A_103 = tpu.memref_slice %arg7[%add3A_45, %dma_start3A_102] : memref<320000x256xf32, #tpu.memory_space<hbm>> -> memref<80x128xf32, #tpu.memory_space<hbm>>
        %dma_start3A_104 = arith.constant 0 : i32
        %dma_start3A_105 = tpu.memref_slice %arg7[%add3A_45, %dma_start3A_104] : memref<320000x256xf32, #tpu.memory_space<hbm>> -> memref<80x128xf32, #tpu.memory_space<hbm>>
        tpu.enqueue_dma source(%arg11 : memref<80x128xf32, #tpu.memory_space<vmem>>) target(%dma_start3A_105 : memref<80x128xf32, #tpu.memory_space<hbm>>) target_semaphore(%run_scoped3A : memref<!tpu.dma_semaphore, #tpu.memory_space<semaphore_mem>>)
        %dma_wait3A_106 = arith.constant 0 : i32
        %dma_wait3A_107 = tpu.memref_slice %arg7[%add3A_45, %dma_wait3A_106] : memref<320000x256xf32, #tpu.memory_space<hbm>> -> memref<80x128xf32, #tpu.memory_space<hbm>>
        %dma_wait3A_108 = arith.constant 0 : i32
        %dma_wait3A_109 = tpu.memref_slice %arg7[%add3A_45, %dma_wait3A_108] : memref<320000x256xf32, #tpu.memory_space<hbm>> -> memref<80x128xf32, #tpu.memory_space<hbm>>
        tpu.wait_dma2 semaphore(%run_scoped3A : memref<!tpu.dma_semaphore, #tpu.memory_space<semaphore_mem>>) src(%arg11 : memref<80x128xf32, #tpu.memory_space<vmem>>) dst(%dma_wait3A_109 : memref<80x128xf32, #tpu.memory_space<hbm>>)
        tpu.yield
      }) : () -> ()
      %dma_wait3A_88 = arith.constant 0 : i32
      %dma_wait3A_89 = arith.constant 0 : i32
      %dma_wait3A_90 = tpu.memref_slice %arg2[%dma_wait3A_88, %dma_wait3A_89] : memref<10000x128xf32, #tpu.memory_space<hbm>> -> memref<80x128xf32, #tpu.memory_space<hbm>>
      %dma_wait3A_91 = arith.constant 0 : i32
      %dma_wait3A_92 = arith.constant 0 : i32
      %dma_wait3A_93 = tpu.memref_slice %arg2[%dma_wait3A_91, %dma_wait3A_92] : memref<10000x128xf32, #tpu.memory_space<hbm>> -> memref<80x128xf32, #tpu.memory_space<hbm>>
      tpu.wait_dma2 semaphore(%arg21 : memref<!tpu.dma_semaphore, #tpu.memory_space<semaphore_mem>>) src(%dma_wait3A_93 : memref<80x128xf32, #tpu.memory_space<hbm>>) dst(%arg12 : memref<80x128xf32, #tpu.memory_space<vmem>>)
      %add3A_94 = arith.constant 2 : i32
      %add3A_95 = arith.addi %add3A_40, %add3A_94 : i32
      %mul3A_96 = arith.constant 80 : i32
      %mul3A_97 = arith.muli %add3A_95, %mul3A_96 : i32
      %dma_start3A_98 = tpu.memref_slice %arg16[%mul3A_97] : memref<10000xi32, #tpu.memory_space<vmem>> -> memref<80xi32, #tpu.memory_space<vmem>>
      %dma_start3A_99 = arith.constant 0 : i32
      %dma_start3A_100 = arith.constant 0 : i32
      %dma_start3A_101 = tpu.memref_slice %arg2[%dma_start3A_99, %dma_start3A_100] : memref<10000x128xf32, #tpu.memory_space<hbm>> -> memref<10000x128xf32, #tpu.memory_space<hbm>>
      tpu.enqueue_indirect_dma source(%dma_start3A_101 : memref<10000x128xf32, #tpu.memory_space<hbm>>) target(%arg10 : memref<80x128xf32, #tpu.memory_space<vmem>>) offsets(%dma_start3A_98 : memref<80xi32, #tpu.memory_space<vmem>>) semaphore(%arg19 : memref<!tpu.dma_semaphore, #tpu.memory_space<semaphore_mem>>)
      "tpu.region"() ({
        %run_scoped3A = tpu.sem_alloc : memref<!tpu.dma_semaphore, #tpu.memory_space<semaphore_mem>>
        %dma_start3A_102 = arith.constant 128 : i32
        %dma_start3A_103 = tpu.memref_slice %arg7[%add3A_45, %dma_start3A_102] : memref<320000x256xf32, #tpu.memory_space<hbm>> -> memref<80x128xf32, #tpu.memory_space<hbm>>
        %dma_start3A_104 = arith.constant 128 : i32
        %dma_start3A_105 = tpu.memref_slice %arg7[%add3A_45, %dma_start3A_104] : memref<320000x256xf32, #tpu.memory_space<hbm>> -> memref<80x128xf32, #tpu.memory_space<hbm>>
        tpu.enqueue_dma source(%arg12 : memref<80x128xf32, #tpu.memory_space<vmem>>) target(%dma_start3A_105 : memref<80x128xf32, #tpu.memory_space<hbm>>) target_semaphore(%run_scoped3A : memref<!tpu.dma_semaphore, #tpu.memory_space<semaphore_mem>>)
        %dma_wait3A_106 = arith.constant 128 : i32
        %dma_wait3A_107 = tpu.memref_slice %arg7[%add3A_45, %dma_wait3A_106] : memref<320000x256xf32, #tpu.memory_space<hbm>> -> memref<80x128xf32, #tpu.memory_space<hbm>>
        %dma_wait3A_108 = arith.constant 128 : i32
        %dma_wait3A_109 = tpu.memref_slice %arg7[%add3A_45, %dma_wait3A_108] : memref<320000x256xf32, #tpu.memory_space<hbm>> -> memref<80x128xf32, #tpu.memory_space<hbm>>
        tpu.wait_dma2 semaphore(%run_scoped3A : memref<!tpu.dma_semaphore, #tpu.memory_space<semaphore_mem>>) src(%arg12 : memref<80x128xf32, #tpu.memory_space<vmem>>) dst(%dma_wait3A_109 : memref<80x128xf32, #tpu.memory_space<hbm>>)
        tpu.yield
      }) : () -> ()
    }
    %scan3A_15 = arith.constant 62 : i32
    %add3A_16 = arith.constant 9920 : i32
    %add3A_17 = arith.addi %mul3A_2, %add3A_16 : i32
    %dma_wait3A = arith.constant 0 : i32
    %dma_wait3A_18 = arith.constant 0 : i32
    %dma_wait3A_19 = tpu.memref_slice %arg2[%dma_wait3A, %dma_wait3A_18] : memref<10000x128xf32, #tpu.memory_space<hbm>> -> memref<80x128xf32, #tpu.memory_space<hbm>>
    %dma_wait3A_20 = arith.constant 0 : i32
    %dma_wait3A_21 = arith.constant 0 : i32
    %dma_wait3A_22 = tpu.memref_slice %arg2[%dma_wait3A_20, %dma_wait3A_21] : memref<10000x128xf32, #tpu.memory_space<hbm>> -> memref<80x128xf32, #tpu.memory_space<hbm>>
    tpu.wait_dma2 semaphore(%arg18 : memref<!tpu.dma_semaphore, #tpu.memory_space<semaphore_mem>>) src(%dma_wait3A_22 : memref<80x128xf32, #tpu.memory_space<hbm>>) dst(%arg9 : memref<80x128xf32, #tpu.memory_space<vmem>>)
    "tpu.region"() ({
      %run_scoped3A = tpu.sem_alloc : memref<!tpu.dma_semaphore, #tpu.memory_space<semaphore_mem>>
      %dma_start3A_36 = arith.constant 0 : i32
      %dma_start3A_37 = tpu.memref_slice %arg7[%add3A_17, %dma_start3A_36] : memref<320000x256xf32, #tpu.memory_space<hbm>> -> memref<80x128xf32, #tpu.memory_space<hbm>>
      %dma_start3A_38 = arith.constant 0 : i32
      %dma_start3A_39 = tpu.memref_slice %arg7[%add3A_17, %dma_start3A_38] : memref<320000x256xf32, #tpu.memory_space<hbm>> -> memref<80x128xf32, #tpu.memory_space<hbm>>
      tpu.enqueue_dma source(%arg9 : memref<80x128xf32, #tpu.memory_space<vmem>>) target(%dma_start3A_39 : memref<80x128xf32, #tpu.memory_space<hbm>>) target_semaphore(%run_scoped3A : memref<!tpu.dma_semaphore, #tpu.memory_space<semaphore_mem>>)
      %dma_wait3A_40 = arith.constant 0 : i32
      %dma_wait3A_41 = tpu.memref_slice %arg7[%add3A_17, %dma_wait3A_40] : memref<320000x256xf32, #tpu.memory_space<hbm>> -> memref<80x128xf32, #tpu.memory_space<hbm>>
      %dma_wait3A_42 = arith.constant 0 : i32
      %dma_wait3A_43 = tpu.memref_slice %arg7[%add3A_17, %dma_wait3A_42] : memref<320000x256xf32, #tpu.memory_space<hbm>> -> memref<80x128xf32, #tpu.memory_space<hbm>>
      tpu.wait_dma2 semaphore(%run_scoped3A : memref<!tpu.dma_semaphore, #tpu.memory_space<semaphore_mem>>) src(%arg9 : memref<80x128xf32, #tpu.memory_space<vmem>>) dst(%dma_wait3A_43 : memref<80x128xf32, #tpu.memory_space<hbm>>)
      tpu.yield
    }) : () -> ()
    %dma_wait3A_23 = arith.constant 0 : i32
    %dma_wait3A_24 = arith.constant 0 : i32
    %dma_wait3A_25 = tpu.memref_slice %arg2[%dma_wait3A_23, %dma_wait3A_24] : memref<10000x128xf32, #tpu.memory_space<hbm>> -> memref<80x128xf32, #tpu.memory_space<hbm>>
    %dma_wait3A_26 = arith.constant 0 : i32
    %dma_wait3A_27 = arith.constant 0 : i32
    %dma_wait3A_28 = tpu.memref_slice %arg2[%dma_wait3A_26, %dma_wait3A_27] : memref<10000x128xf32, #tpu.memory_space<hbm>> -> memref<80x128xf32, #tpu.memory_space<hbm>>
    tpu.wait_dma2 semaphore(%arg19 : memref<!tpu.dma_semaphore, #tpu.memory_space<semaphore_mem>>) src(%dma_wait3A_28 : memref<80x128xf32, #tpu.memory_space<hbm>>) dst(%arg10 : memref<80x128xf32, #tpu.memory_space<vmem>>)
    "tpu.region"() ({
      %run_scoped3A = tpu.sem_alloc : memref<!tpu.dma_semaphore, #tpu.memory_space<semaphore_mem>>
      %dma_start3A_36 = arith.constant 128 : i32
      %dma_start3A_37 = tpu.memref_slice %arg7[%add3A_17, %dma_start3A_36] : memref<320000x256xf32, #tpu.memory_space<hbm>> -> memref<80x128xf32, #tpu.memory_space<hbm>>
      %dma_start3A_38 = arith.constant 128 : i32
      %dma_start3A_39 = tpu.memref_slice %arg7[%add3A_17, %dma_start3A_38] : memref<320000x256xf32, #tpu.memory_space<hbm>> -> memref<80x128xf32, #tpu.memory_space<hbm>>
      tpu.enqueue_dma source(%arg10 : memref<80x128xf32, #tpu.memory_space<vmem>>) target(%dma_start3A_39 : memref<80x128xf32, #tpu.memory_space<hbm>>) target_semaphore(%run_scoped3A : memref<!tpu.dma_semaphore, #tpu.memory_space<semaphore_mem>>)
      %dma_wait3A_40 = arith.constant 128 : i32
      %dma_wait3A_41 = tpu.memref_slice %arg7[%add3A_17, %dma_wait3A_40] : memref<320000x256xf32, #tpu.memory_space<hbm>> -> memref<80x128xf32, #tpu.memory_space<hbm>>
      %dma_wait3A_42 = arith.constant 128 : i32
      %dma_wait3A_43 = tpu.memref_slice %arg7[%add3A_17, %dma_wait3A_42] : memref<320000x256xf32, #tpu.memory_space<hbm>> -> memref<80x128xf32, #tpu.memory_space<hbm>>
      tpu.wait_dma2 semaphore(%run_scoped3A : memref<!tpu.dma_semaphore, #tpu.memory_space<semaphore_mem>>) src(%arg10 : memref<80x128xf32, #tpu.memory_space<vmem>>) dst(%dma_wait3A_43 : memref<80x128xf32, #tpu.memory_space<hbm>>)
      tpu.yield
    }) : () -> ()
    %scan3A_29 = arith.constant 0 : i32
    %scan3A_30 = arith.constant 625 : i32
    %scan3A_31 = arith.addi %scan3A_29, %scan3A_30 : i32
    %scan3A_32 = arith.constant 1 : i32
    scf.for %scan3A_36 = %scan3A_29 to %scan3A_31 step %scan3A_32  : i32 {
      %mul3A_37 = arith.constant 1 : i32
      %mul3A_38 = arith.muli %scan3A_36, %mul3A_37 : i32
      %add3A_39 = arith.constant 0 : i32
      %add3A_40 = arith.addi %add3A_39, %mul3A_38 : i32
      %mul3A_41 = arith.constant 16 : i32
      %mul3A_42 = arith.muli %add3A_40, %mul3A_41 : i32
      %get3A = arith.index_cast %mul3A_42 : i32 to index
      %get3A_43 = tpu.vector_load %arg15[%get3A] {strides = array<i32>} : memref<10000xi32, #tpu.memory_space<vmem>>, vector<16xi32>,
      %mul3A_44 = arith.constant 16 : i32
      %mul3A_45 = arith.muli %add3A_40, %mul3A_44 : i32
      %get3A_46 = arith.index_cast %mul3A_45 : i32 to index
      %get3A_47 = tpu.vector_load %arg16[%get3A_46] {strides = array<i32>} : memref<10000xi32, #tpu.memory_space<vmem>>, vector<16xi32>,
      %gather3A = tpu.vector_load_idx %arg13[%get3A_43] : memref<10000xf32, #tpu.memory_space<vmem>>[vector<16xi32>], vector<16xf32>,
      %gather3A_48 = tpu.vector_load_idx %arg14[%get3A_47] : memref<10000xf32, #tpu.memory_space<vmem>>[vector<16xi32>], vector<16xf32>,
      %add3A_49 = arith.addf %gather3A, %gather3A_48 : vector<16xf32>
      %mul3A_50 = arith.constant 16 : i32
      %mul3A_51 = arith.muli %add3A_40, %mul3A_50 : i32
      %swap3A = arith.index_cast %mul3A_51 : i32 to index
      %swap3A_52 = tpu.vector_load %arg17[%swap3A] {strides = array<i32>} : memref<10000xf32, #tpu.memory_space<vmem>>, vector<16xf32>,
      tpu.vector_store %arg17[%swap3A], %add3A_49 {strides = array<i32>} : memref<10000xf32, #tpu.memory_space<vmem>>, vector<16xf32>,
    }
    %scan3A_33 = arith.constant 625 : i32
    %mul3A_34 = arith.constant 10000 : i32
    %mul3A_35 = arith.muli %add3A, %mul3A_34 : i32
    "tpu.region"() ({
      %run_scoped3A = tpu.sem_alloc : memref<!tpu.dma_semaphore, #tpu.memory_space<semaphore_mem>>
      %dma_start3A_36 = tpu.memref_slice %arg8[%mul3A_35] : memref<320000xf32, #tpu.memory_space<hbm>> -> memref<10000xf32, #tpu.memory_space<hbm>>
      %dma_start3A_37 = tpu.memref_slice %arg8[%mul3A_35] : memref<320000xf32, #tpu.memory_space<hbm>> -> memref<10000xf32, #tpu.memory_space<hbm>>
      tpu.enqueue_dma source(%arg17 : memref<10000xf32, #tpu.memory_space<vmem>>) target(%dma_start3A_37 : memref<10000xf32, #tpu.memory_space<hbm>>) target_semaphore(%run_scoped3A : memref<!tpu.dma_semaphore, #tpu.memory_space<semaphore_mem>>)
      %dma_wait3A_38 = tpu.memref_slice %arg8[%mul3A_35] : memref<320000xf32, #tpu.memory_space<hbm>> -> memref<10000xf32, #tpu.memory_space<hbm>>
      %dma_wait3A_39 = tpu.memref_slice %arg8[%mul3A_35] : memref<320000xf32, #tpu.memory_space<hbm>> -> memref<10000xf32, #tpu.memory_space<hbm>>
      tpu.wait_dma2 semaphore(%run_scoped3A : memref<!tpu.dma_semaphore, #tpu.memory_space<semaphore_mem>>) src(%arg17 : memref<10000xf32, #tpu.memory_space<vmem>>) dst(%dma_wait3A_39 : memref<10000xf32, #tpu.memory_space<hbm>>)
      tpu.yield
    }) : () -> ()
    return
  }
}

#map = affine_map<(d0, d1) -> (0, 0)>
#map1 = affine_map<(d0, d1) -> (0, 0, 0)>
#map2 = affine_map<(d0, d1) -> (0)>
module attributes {stable_mosaic.version = 14 : i64} {
  func.func @_scatter_body(%arg0: i32, %arg1: i32, %arg2: memref<320000x128xf32, #tpu.memory_space<hbm>>, %arg3: memref<32x125x80xi32, #tpu.memory_space<hbm>>, %arg4: memref<80x128xf32, #tpu.memory_space<hbm>>, %arg5: memref<10000xf32, #tpu.memory_space<hbm>>, %arg6: memref<2x10240x128xf32, #tpu.memory_space<hbm>>, %arg7: memref<32x10000xf32, #tpu.memory_space<hbm>>, %arg8: memref<125x80xi32, #tpu.memory_space<vmem>>, %arg9: memref<80x128xf32, #tpu.memory_space<vmem>>, %arg10: memref<80x128xf32, #tpu.memory_space<vmem>>, %arg11: memref<10000xf32, #tpu.memory_space<vmem>>, %arg12: memref<10240x128xf32, #tpu.memory_space<vmem_shared>>, %arg13: memref<!tpu.dma_semaphore, #tpu.memory_space<semaphore_mem>>, %arg14: memref<!tpu.dma_semaphore, #tpu.memory_space<semaphore_mem>>) attributes {dimension_semantics = [#tpu.dimension_semantics<core_parallel>, #tpu.dimension_semantics<subcore_parallel>], iteration_bounds = array<i64: 2, 16>, scalar_prefetch = 0 : i64, scratch_operands = 7 : i64, tpu.core_type = #tpu.core_type<sc_vector_subcore>, window_params = [{transform_indices = #map}, {transform_indices = #map1}, {transform_indices = #map}, {transform_indices = #map2}, {transform_indices = #map1}, {transform_indices = #map}]} {
    %mul3A = arith.constant 2 : i32
    %mul3A_0 = arith.muli %arg1, %mul3A : i32
    %add3A = arith.addi %mul3A_0, %arg0 : i32
    "tpu.region"() ({
      %run_scoped3A_32 = tpu.sem_alloc : memref<!tpu.dma_semaphore, #tpu.memory_space<semaphore_mem>>
      tpu.enqueue_dma source(%arg4 : memref<80x128xf32, #tpu.memory_space<hbm>>) target(%arg9 : memref<80x128xf32, #tpu.memory_space<vmem>>) target_semaphore(%run_scoped3A_32 : memref<!tpu.dma_semaphore, #tpu.memory_space<semaphore_mem>>)
      tpu.wait_dma2 semaphore(%run_scoped3A_32 : memref<!tpu.dma_semaphore, #tpu.memory_space<semaphore_mem>>) src(%arg4 : memref<80x128xf32, #tpu.memory_space<hbm>>) dst(%arg9 : memref<80x128xf32, #tpu.memory_space<vmem>>)
      tpu.yield
    }) : () -> ()
    "tpu.region"() ({
      %run_scoped3A_32 = tpu.sem_alloc : memref<!tpu.dma_semaphore, #tpu.memory_space<semaphore_mem>>
      tpu.enqueue_dma source(%arg5 : memref<10000xf32, #tpu.memory_space<hbm>>) target(%arg11 : memref<10000xf32, #tpu.memory_space<vmem>>) target_semaphore(%run_scoped3A_32 : memref<!tpu.dma_semaphore, #tpu.memory_space<semaphore_mem>>)
      tpu.wait_dma2 semaphore(%run_scoped3A_32 : memref<!tpu.dma_semaphore, #tpu.memory_space<semaphore_mem>>) src(%arg5 : memref<10000xf32, #tpu.memory_space<hbm>>) dst(%arg11 : memref<10000xf32, #tpu.memory_space<vmem>>)
      tpu.yield
    }) : () -> ()
    %scan3A = arith.constant 0 : i32
    %scan3A_1 = arith.constant 8 : i32
    %scan3A_2 = arith.addi %scan3A, %scan3A_1 : i32
    %scan3A_3 = arith.constant 1 : i32
    scf.for %scan3A_32 = %scan3A to %scan3A_2 step %scan3A_3  : i32 {
      %mul3A_33 = arith.constant 1 : i32
      %mul3A_34 = arith.muli %scan3A_32, %mul3A_33 : i32
      %add3A_35 = arith.constant 0 : i32
      %add3A_36 = arith.addi %add3A_35, %mul3A_34 : i32
      %mul3A_37 = arith.constant 640 : i32
      %mul3A_38 = arith.muli %arg1, %mul3A_37 : i32
      %mul3A_39 = arith.constant 80 : i32
      %mul3A_40 = arith.muli %add3A_36, %mul3A_39 : i32
      %add3A_41 = arith.addi %mul3A_38, %mul3A_40 : i32
      "tpu.region"() ({
        %run_scoped3A_42 = tpu.sem_alloc : memref<!tpu.dma_semaphore, #tpu.memory_space<semaphore_mem>>
        %dma_start3A_43 = arith.constant 0 : i32
        %dma_start3A_44 = tpu.memref_slice %arg12[%add3A_41, %dma_start3A_43] : memref<10240x128xf32, #tpu.memory_space<vmem_shared>> -> memref<80x128xf32, #tpu.memory_space<vmem_shared>>
        %dma_start3A_45 = arith.constant 0 : i32
        %dma_start3A_46 = tpu.memref_slice %arg12[%add3A_41, %dma_start3A_45] : memref<10240x128xf32, #tpu.memory_space<vmem_shared>> -> memref<80x128xf32, #tpu.memory_space<vmem_shared>>
        tpu.enqueue_dma source(%arg9 : memref<80x128xf32, #tpu.memory_space<vmem>>) target(%dma_start3A_46 : memref<80x128xf32, #tpu.memory_space<vmem_shared>>) target_semaphore(%run_scoped3A_42 : memref<!tpu.dma_semaphore, #tpu.memory_space<semaphore_mem>>)
        %dma_wait3A_47 = arith.constant 0 : i32
        %dma_wait3A_48 = tpu.memref_slice %arg12[%add3A_41, %dma_wait3A_47] : memref<10240x128xf32, #tpu.memory_space<vmem_shared>> -> memref<80x128xf32, #tpu.memory_space<vmem_shared>>
        %dma_wait3A_49 = arith.constant 0 : i32
        %dma_wait3A_50 = tpu.memref_slice %arg12[%add3A_41, %dma_wait3A_49] : memref<10240x128xf32, #tpu.memory_space<vmem_shared>> -> memref<80x128xf32, #tpu.memory_space<vmem_shared>>
        tpu.wait_dma2 semaphore(%run_scoped3A_42 : memref<!tpu.dma_semaphore, #tpu.memory_space<semaphore_mem>>) src(%arg9 : memref<80x128xf32, #tpu.memory_space<vmem>>) dst(%dma_wait3A_50 : memref<80x128xf32, #tpu.memory_space<vmem_shared>>)
        tpu.yield
      }) : () -> ()
    }
    %scan3A_4 = arith.constant 8 : i32
    "tpu.region"() ({
      %run_scoped3A_32 = tpu.sem_alloc : memref<!tpu.dma_semaphore, #tpu.memory_space<semaphore_mem>>
      %dma_start3A_33 = arith.constant 0 : i32
      %dma_start3A_34 = arith.constant 0 : i32
      %dma_start3A_35 = tpu.memref_slice %arg3[%add3A, %dma_start3A_33, %dma_start3A_34] : memref<32x125x80xi32, #tpu.memory_space<hbm>> -> memref<1x125x80xi32, #tpu.memory_space<hbm>>
      %dma_start3A_36 = tpu.memref_squeeze %dma_start3A_35 : memref<1x125x80xi32, #tpu.memory_space<hbm>> -> memref<125x80xi32, #tpu.memory_space<hbm>>
      %dma_start3A_37 = arith.constant 0 : i32
      %dma_start3A_38 = arith.constant 0 : i32
      %dma_start3A_39 = tpu.memref_slice %arg3[%add3A, %dma_start3A_37, %dma_start3A_38] : memref<32x125x80xi32, #tpu.memory_space<hbm>> -> memref<1x125x80xi32, #tpu.memory_space<hbm>>
      %dma_start3A_40 = tpu.memref_squeeze %dma_start3A_39 : memref<1x125x80xi32, #tpu.memory_space<hbm>> -> memref<125x80xi32, #tpu.memory_space<hbm>>
      tpu.enqueue_dma source(%dma_start3A_40 : memref<125x80xi32, #tpu.memory_space<hbm>>) target(%arg8 : memref<125x80xi32, #tpu.memory_space<vmem>>) target_semaphore(%run_scoped3A_32 : memref<!tpu.dma_semaphore, #tpu.memory_space<semaphore_mem>>)
      %dma_wait3A_41 = arith.constant 0 : i32
      %dma_wait3A_42 = arith.constant 0 : i32
      %dma_wait3A_43 = tpu.memref_slice %arg3[%add3A, %dma_wait3A_41, %dma_wait3A_42] : memref<32x125x80xi32, #tpu.memory_space<hbm>> -> memref<1x125x80xi32, #tpu.memory_space<hbm>>
      %dma_wait3A_44 = tpu.memref_squeeze %dma_wait3A_43 : memref<1x125x80xi32, #tpu.memory_space<hbm>> -> memref<125x80xi32, #tpu.memory_space<hbm>>
      %dma_wait3A_45 = arith.constant 0 : i32
      %dma_wait3A_46 = arith.constant 0 : i32
      %dma_wait3A_47 = tpu.memref_slice %arg3[%add3A, %dma_wait3A_45, %dma_wait3A_46] : memref<32x125x80xi32, #tpu.memory_space<hbm>> -> memref<1x125x80xi32, #tpu.memory_space<hbm>>
      %dma_wait3A_48 = tpu.memref_squeeze %dma_wait3A_47 : memref<1x125x80xi32, #tpu.memory_space<hbm>> -> memref<125x80xi32, #tpu.memory_space<hbm>>
      tpu.wait_dma2 semaphore(%run_scoped3A_32 : memref<!tpu.dma_semaphore, #tpu.memory_space<semaphore_mem>>) src(%dma_wait3A_48 : memref<125x80xi32, #tpu.memory_space<hbm>>) dst(%arg8 : memref<125x80xi32, #tpu.memory_space<vmem>>)
      tpu.yield
    }) : () -> ()
    %barrier3A = arith.constant 0 : index
    tpu.barrier barrier_id(%barrier3A)
    %mul3A_5 = arith.constant 10000 : i32
    %mul3A_6 = arith.muli %add3A, %mul3A_5 : i32
    %broadcast_in_dim3A = arith.constant 1.000000e+00 : f32
    %broadcast_in_dim3A_7 = vector.broadcast %broadcast_in_dim3A : f32 to vector<16xf32>
    %dma_start3A = arith.constant 0 : i32
    %dma_start3A_8 = tpu.memref_slice %arg2[%mul3A_6, %dma_start3A] : memref<320000x128xf32, #tpu.memory_space<hbm>> -> memref<80x128xf32, #tpu.memory_space<hbm>>
    %dma_start3A_9 = arith.constant 0 : i32
    %dma_start3A_10 = tpu.memref_slice %arg2[%mul3A_6, %dma_start3A_9] : memref<320000x128xf32, #tpu.memory_space<hbm>> -> memref<80x128xf32, #tpu.memory_space<hbm>>
    tpu.enqueue_dma source(%dma_start3A_10 : memref<80x128xf32, #tpu.memory_space<hbm>>) target(%arg9 : memref<80x128xf32, #tpu.memory_space<vmem>>) target_semaphore(%arg13 : memref<!tpu.dma_semaphore, #tpu.memory_space<semaphore_mem>>)
    %scan3A_11 = arith.constant 0 : i32
    %scan3A_12 = arith.constant 62 : i32
    %scan3A_13 = arith.addi %scan3A_11, %scan3A_12 : i32
    %scan3A_14 = arith.constant 1 : i32
    scf.for %scan3A_32 = %scan3A_11 to %scan3A_13 step %scan3A_14  : i32 {
      %mul3A_33 = arith.constant 2 : i32
      %mul3A_34 = arith.muli %scan3A_32, %mul3A_33 : i32
      %add3A_35 = arith.constant 0 : i32
      %add3A_36 = arith.addi %add3A_35, %mul3A_34 : i32
      %dma_wait3A_37 = arith.constant 0 : i32
      %dma_wait3A_38 = arith.constant 0 : i32
      %dma_wait3A_39 = tpu.memref_slice %arg2[%dma_wait3A_37, %dma_wait3A_38] : memref<320000x128xf32, #tpu.memory_space<hbm>> -> memref<80x128xf32, #tpu.memory_space<hbm>>
      %dma_wait3A_40 = arith.constant 0 : i32
      %dma_wait3A_41 = arith.constant 0 : i32
      %dma_wait3A_42 = tpu.memref_slice %arg2[%dma_wait3A_40, %dma_wait3A_41] : memref<320000x128xf32, #tpu.memory_space<hbm>> -> memref<80x128xf32, #tpu.memory_space<hbm>>
      tpu.wait_dma2 semaphore(%arg13 : memref<!tpu.dma_semaphore, #tpu.memory_space<semaphore_mem>>) src(%dma_wait3A_42 : memref<80x128xf32, #tpu.memory_space<hbm>>) dst(%arg9 : memref<80x128xf32, #tpu.memory_space<vmem>>)
      %add3A_43 = arith.constant 1 : i32
      %add3A_44 = arith.addi %add3A_36, %add3A_43 : i32
      %mul3A_45 = arith.constant 80 : i32
      %mul3A_46 = arith.muli %add3A_44, %mul3A_45 : i32
      %add3A_47 = arith.addi %mul3A_6, %mul3A_46 : i32
      %dma_start3A_48 = arith.constant 0 : i32
      %dma_start3A_49 = tpu.memref_slice %arg2[%add3A_47, %dma_start3A_48] : memref<320000x128xf32, #tpu.memory_space<hbm>> -> memref<80x128xf32, #tpu.memory_space<hbm>>
      %dma_start3A_50 = arith.constant 0 : i32
      %dma_start3A_51 = tpu.memref_slice %arg2[%add3A_47, %dma_start3A_50] : memref<320000x128xf32, #tpu.memory_space<hbm>> -> memref<80x128xf32, #tpu.memory_space<hbm>>
      tpu.enqueue_dma source(%dma_start3A_51 : memref<80x128xf32, #tpu.memory_space<hbm>>) target(%arg10 : memref<80x128xf32, #tpu.memory_space<vmem>>) target_semaphore(%arg14 : memref<!tpu.dma_semaphore, #tpu.memory_space<semaphore_mem>>)
      "tpu.region"() ({
        %run_scoped3A_69 = tpu.sem_alloc : memref<!tpu.dma_semaphore, #tpu.memory_space<semaphore_mem>>
        %dma_start3A_70 = arith.constant 0 : i32
        %dma_start3A_71 = tpu.memref_slice %arg8[%add3A_36, %dma_start3A_70] : memref<125x80xi32, #tpu.memory_space<vmem>> -> memref<1x80xi32, #tpu.memory_space<vmem>>
        %dma_start3A_72 = tpu.memref_squeeze %dma_start3A_71 : memref<1x80xi32, #tpu.memory_space<vmem>> -> memref<80xi32, #tpu.memory_space<vmem>>
        %dma_start3A_73 = arith.constant 0 : i32
        %dma_start3A_74 = arith.constant 0 : i32
        %dma_start3A_75 = tpu.memref_slice %arg12[%dma_start3A_73, %dma_start3A_74] : memref<10240x128xf32, #tpu.memory_space<vmem_shared>> -> memref<10240x128xf32, #tpu.memory_space<vmem_shared>>
        tpu.enqueue_indirect_dma source(%arg9 : memref<80x128xf32, #tpu.memory_space<vmem>>) target(%dma_start3A_75 : memref<10240x128xf32, #tpu.memory_space<vmem_shared>>) offsets(%dma_start3A_72 : memref<80xi32, #tpu.memory_space<vmem>>) semaphore(%run_scoped3A_69 : memref<!tpu.dma_semaphore, #tpu.memory_space<semaphore_mem>>) {add = true}
        %dma_wait3A_76 = arith.constant 0 : i32
        %dma_wait3A_77 = tpu.memref_slice %arg8[%add3A_36, %dma_wait3A_76] : memref<125x80xi32, #tpu.memory_space<vmem>> -> memref<1x80xi32, #tpu.memory_space<vmem>>
        %dma_wait3A_78 = tpu.memref_squeeze %dma_wait3A_77 : memref<1x80xi32, #tpu.memory_space<vmem>> -> memref<80xi32, #tpu.memory_space<vmem>>
        %dma_wait3A_79 = arith.constant 0 : i32
        %dma_wait3A_80 = arith.constant 0 : i32
        %dma_wait3A_81 = tpu.memref_slice %arg12[%dma_wait3A_79, %dma_wait3A_80] : memref<10240x128xf32, #tpu.memory_space<vmem_shared>> -> memref<10240x128xf32, #tpu.memory_space<vmem_shared>>
        tpu.wait_indirect_dma semaphore(%run_scoped3A_69 : memref<!tpu.dma_semaphore, #tpu.memory_space<semaphore_mem>>) src(%arg9 : memref<80x128xf32, #tpu.memory_space<vmem>>) dst(%dma_wait3A_81 : memref<10240x128xf32, #tpu.memory_space<vmem_shared>>)
        tpu.yield
      }) : () -> ()
      %dma_wait3A_52 = arith.constant 0 : i32
      %dma_wait3A_53 = arith.constant 0 : i32
      %dma_wait3A_54 = tpu.memref_slice %arg2[%dma_wait3A_52, %dma_wait3A_53] : memref<320000x128xf32, #tpu.memory_space<hbm>> -> memref<80x128xf32, #tpu.memory_space<hbm>>
      %dma_wait3A_55 = arith.constant 0 : i32
      %dma_wait3A_56 = arith.constant 0 : i32
      %dma_wait3A_57 = tpu.memref_slice %arg2[%dma_wait3A_55, %dma_wait3A_56] : memref<320000x128xf32, #tpu.memory_space<hbm>> -> memref<80x128xf32, #tpu.memory_space<hbm>>
      tpu.wait_dma2 semaphore(%arg14 : memref<!tpu.dma_semaphore, #tpu.memory_space<semaphore_mem>>) src(%dma_wait3A_57 : memref<80x128xf32, #tpu.memory_space<hbm>>) dst(%arg10 : memref<80x128xf32, #tpu.memory_space<vmem>>)
      %add3A_58 = arith.constant 2 : i32
      %add3A_59 = arith.addi %add3A_36, %add3A_58 : i32
      %mul3A_60 = arith.constant 80 : i32
      %mul3A_61 = arith.muli %add3A_59, %mul3A_60 : i32
      %add3A_62 = arith.addi %mul3A_6, %mul3A_61 : i32
      %dma_start3A_63 = arith.constant 0 : i32
      %dma_start3A_64 = tpu.memref_slice %arg2[%add3A_62, %dma_start3A_63] : memref<320000x128xf32, #tpu.memory_space<hbm>> -> memref<80x128xf32, #tpu.memory_space<hbm>>
      %dma_start3A_65 = arith.constant 0 : i32
      %dma_start3A_66 = tpu.memref_slice %arg2[%add3A_62, %dma_start3A_65] : memref<320000x128xf32, #tpu.memory_space<hbm>> -> memref<80x128xf32, #tpu.memory_space<hbm>>
      tpu.enqueue_dma source(%dma_start3A_66 : memref<80x128xf32, #tpu.memory_space<hbm>>) target(%arg9 : memref<80x128xf32, #tpu.memory_space<vmem>>) target_semaphore(%arg13 : memref<!tpu.dma_semaphore, #tpu.memory_space<semaphore_mem>>)
      %add3A_67 = arith.constant 1 : i32
      %add3A_68 = arith.addi %add3A_36, %add3A_67 : i32
      "tpu.region"() ({
        %run_scoped3A_69 = tpu.sem_alloc : memref<!tpu.dma_semaphore, #tpu.memory_space<semaphore_mem>>
        %dma_start3A_70 = arith.constant 0 : i32
        %dma_start3A_71 = tpu.memref_slice %arg8[%add3A_68, %dma_start3A_70] : memref<125x80xi32, #tpu.memory_space<vmem>> -> memref<1x80xi32, #tpu.memory_space<vmem>>
        %dma_start3A_72 = tpu.memref_squeeze %dma_start3A_71 : memref<1x80xi32, #tpu.memory_space<vmem>> -> memref<80xi32, #tpu.memory_space<vmem>>
        %dma_start3A_73 = arith.constant 0 : i32
        %dma_start3A_74 = arith.constant 0 : i32
        %dma_start3A_75 = tpu.memref_slice %arg12[%dma_start3A_73, %dma_start3A_74] : memref<10240x128xf32, #tpu.memory_space<vmem_shared>> -> memref<10240x128xf32, #tpu.memory_space<vmem_shared>>
        tpu.enqueue_indirect_dma source(%arg10 : memref<80x128xf32, #tpu.memory_space<vmem>>) target(%dma_start3A_75 : memref<10240x128xf32, #tpu.memory_space<vmem_shared>>) offsets(%dma_start3A_72 : memref<80xi32, #tpu.memory_space<vmem>>) semaphore(%run_scoped3A_69 : memref<!tpu.dma_semaphore, #tpu.memory_space<semaphore_mem>>) {add = true}
        %dma_wait3A_76 = arith.constant 0 : i32
        %dma_wait3A_77 = tpu.memref_slice %arg8[%add3A_68, %dma_wait3A_76] : memref<125x80xi32, #tpu.memory_space<vmem>> -> memref<1x80xi32, #tpu.memory_space<vmem>>
        %dma_wait3A_78 = tpu.memref_squeeze %dma_wait3A_77 : memref<1x80xi32, #tpu.memory_space<vmem>> -> memref<80xi32, #tpu.memory_space<vmem>>
        %dma_wait3A_79 = arith.constant 0 : i32
        %dma_wait3A_80 = arith.constant 0 : i32
        %dma_wait3A_81 = tpu.memref_slice %arg12[%dma_wait3A_79, %dma_wait3A_80] : memref<10240x128xf32, #tpu.memory_space<vmem_shared>> -> memref<10240x128xf32, #tpu.memory_space<vmem_shared>>
        tpu.wait_indirect_dma semaphore(%run_scoped3A_69 : memref<!tpu.dma_semaphore, #tpu.memory_space<semaphore_mem>>) src(%arg10 : memref<80x128xf32, #tpu.memory_space<vmem>>) dst(%dma_wait3A_81 : memref<10240x128xf32, #tpu.memory_space<vmem_shared>>)
        tpu.yield
      }) : () -> ()
    }
    %scan3A_15 = arith.constant 62 : i32
    %dma_wait3A = arith.constant 0 : i32
    %dma_wait3A_16 = arith.constant 0 : i32
    %dma_wait3A_17 = tpu.memref_slice %arg2[%dma_wait3A, %dma_wait3A_16] : memref<320000x128xf32, #tpu.memory_space<hbm>> -> memref<80x128xf32, #tpu.memory_space<hbm>>
    %dma_wait3A_18 = arith.constant 0 : i32
    %dma_wait3A_19 = arith.constant 0 : i32
    %dma_wait3A_20 = tpu.memref_slice %arg2[%dma_wait3A_18, %dma_wait3A_19] : memref<320000x128xf32, #tpu.memory_space<hbm>> -> memref<80x128xf32, #tpu.memory_space<hbm>>
    tpu.wait_dma2 semaphore(%arg13 : memref<!tpu.dma_semaphore, #tpu.memory_space<semaphore_mem>>) src(%dma_wait3A_20 : memref<80x128xf32, #tpu.memory_space<hbm>>) dst(%arg9 : memref<80x128xf32, #tpu.memory_space<vmem>>)
    %run_scoped3A = arith.constant 124 : i32
    "tpu.region"() ({
      %run_scoped3A_32 = tpu.sem_alloc : memref<!tpu.dma_semaphore, #tpu.memory_space<semaphore_mem>>
      %dma_start3A_33 = arith.constant 0 : i32
      %dma_start3A_34 = tpu.memref_slice %arg8[%run_scoped3A, %dma_start3A_33] : memref<125x80xi32, #tpu.memory_space<vmem>> -> memref<1x80xi32, #tpu.memory_space<vmem>>
      %dma_start3A_35 = tpu.memref_squeeze %dma_start3A_34 : memref<1x80xi32, #tpu.memory_space<vmem>> -> memref<80xi32, #tpu.memory_space<vmem>>
      %dma_start3A_36 = arith.constant 0 : i32
      %dma_start3A_37 = arith.constant 0 : i32
      %dma_start3A_38 = tpu.memref_slice %arg12[%dma_start3A_36, %dma_start3A_37] : memref<10240x128xf32, #tpu.memory_space<vmem_shared>> -> memref<10240x128xf32, #tpu.memory_space<vmem_shared>>
      tpu.enqueue_indirect_dma source(%arg9 : memref<80x128xf32, #tpu.memory_space<vmem>>) target(%dma_start3A_38 : memref<10240x128xf32, #tpu.memory_space<vmem_shared>>) offsets(%dma_start3A_35 : memref<80xi32, #tpu.memory_space<vmem>>) semaphore(%run_scoped3A_32 : memref<!tpu.dma_semaphore, #tpu.memory_space<semaphore_mem>>) {add = true}
      %dma_wait3A_39 = arith.constant 0 : i32
      %dma_wait3A_40 = tpu.memref_slice %arg8[%run_scoped3A, %dma_wait3A_39] : memref<125x80xi32, #tpu.memory_space<vmem>> -> memref<1x80xi32, #tpu.memory_space<vmem>>
      %dma_wait3A_41 = tpu.memref_squeeze %dma_wait3A_40 : memref<1x80xi32, #tpu.memory_space<vmem>> -> memref<80xi32, #tpu.memory_space<vmem>>
      %dma_wait3A_42 = arith.constant 0 : i32
      %dma_wait3A_43 = arith.constant 0 : i32
      %dma_wait3A_44 = tpu.memref_slice %arg12[%dma_wait3A_42, %dma_wait3A_43] : memref<10240x128xf32, #tpu.memory_space<vmem_shared>> -> memref<10240x128xf32, #tpu.memory_space<vmem_shared>>
      tpu.wait_indirect_dma semaphore(%run_scoped3A_32 : memref<!tpu.dma_semaphore, #tpu.memory_space<semaphore_mem>>) src(%arg9 : memref<80x128xf32, #tpu.memory_space<vmem>>) dst(%dma_wait3A_44 : memref<10240x128xf32, #tpu.memory_space<vmem_shared>>)
      tpu.yield
    }) : () -> ()
    %scan3A_21 = arith.constant 0 : i32
    %scan3A_22 = arith.constant 125 : i32
    %scan3A_23 = arith.addi %scan3A_21, %scan3A_22 : i32
    %scan3A_24 = arith.constant 1 : i32
    scf.for %scan3A_32 = %scan3A_21 to %scan3A_23 step %scan3A_24  : i32 {
      %mul3A_33 = arith.constant 1 : i32
      %mul3A_34 = arith.muli %scan3A_32, %mul3A_33 : i32
      %add3A_35 = arith.constant 0 : i32
      %add3A_36 = arith.addi %add3A_35, %mul3A_34 : i32
      %scan3A_37 = arith.constant 0 : i32
      %scan3A_38 = arith.constant 5 : i32
      %scan3A_39 = arith.addi %scan3A_37, %scan3A_38 : i32
      %scan3A_40 = arith.constant 1 : i32
      scf.for %scan3A_42 = %scan3A_37 to %scan3A_39 step %scan3A_40  : i32 {
        %mul3A_43 = arith.constant 1 : i32
        %mul3A_44 = arith.muli %scan3A_42, %mul3A_43 : i32
        %add3A_45 = arith.constant 0 : i32
        %add3A_46 = arith.addi %add3A_45, %mul3A_44 : i32
        %mul3A_47 = arith.constant 16 : i32
        %mul3A_48 = arith.muli %add3A_46, %mul3A_47 : i32
        %get3A = arith.index_cast %add3A_36 : i32 to index
        %get3A_49 = arith.index_cast %mul3A_48 : i32 to index
        %get3A_50 = tpu.vector_load %arg8[%get3A, %get3A_49] {strides = array<i32>} : memref<125x80xi32, #tpu.memory_space<vmem>>, vector<16xi32>,
        tpu.vector_store_idx %arg11[%get3A_50], %broadcast_in_dim3A_7 {add = true} : memref<10000xf32, #tpu.memory_space<vmem>>[vector<16xi32>], vector<16xf32>,
      }
      %scan3A_41 = arith.constant 5 : i32
    }
    %scan3A_25 = arith.constant 125 : i32
    %barrier3A_26 = arith.constant 0 : index
    tpu.barrier barrier_id(%barrier3A_26)
    %scan3A_27 = arith.constant 0 : i32
    %scan3A_28 = arith.constant 8 : i32
    %scan3A_29 = arith.addi %scan3A_27, %scan3A_28 : i32
    %scan3A_30 = arith.constant 1 : i32
    scf.for %scan3A_32 = %scan3A_27 to %scan3A_29 step %scan3A_30  : i32 {
      %mul3A_33 = arith.constant 1 : i32
      %mul3A_34 = arith.muli %scan3A_32, %mul3A_33 : i32
      %add3A_35 = arith.constant 0 : i32
      %add3A_36 = arith.addi %add3A_35, %mul3A_34 : i32
      %mul3A_37 = arith.constant 640 : i32
      %mul3A_38 = arith.muli %arg1, %mul3A_37 : i32
      %mul3A_39 = arith.constant 80 : i32
      %mul3A_40 = arith.muli %add3A_36, %mul3A_39 : i32
      %add3A_41 = arith.addi %mul3A_38, %mul3A_40 : i32
      "tpu.region"() ({
        %run_scoped3A_42 = tpu.sem_alloc : memref<!tpu.dma_semaphore, #tpu.memory_space<semaphore_mem>>
        %dma_start3A_43 = arith.constant 0 : i32
        %dma_start3A_44 = tpu.memref_slice %arg12[%add3A_41, %dma_start3A_43] : memref<10240x128xf32, #tpu.memory_space<vmem_shared>> -> memref<80x128xf32, #tpu.memory_space<vmem_shared>>
        %dma_start3A_45 = arith.constant 0 : i32
        %dma_start3A_46 = tpu.memref_slice %arg12[%add3A_41, %dma_start3A_45] : memref<10240x128xf32, #tpu.memory_space<vmem_shared>> -> memref<80x128xf32, #tpu.memory_space<vmem_shared>>
        tpu.enqueue_dma source(%dma_start3A_46 : memref<80x128xf32, #tpu.memory_space<vmem_shared>>) target(%arg9 : memref<80x128xf32, #tpu.memory_space<vmem>>) target_semaphore(%run_scoped3A_42 : memref<!tpu.dma_semaphore, #tpu.memory_space<semaphore_mem>>)
        %dma_wait3A_47 = arith.constant 0 : i32
        %dma_wait3A_48 = tpu.memref_slice %arg12[%add3A_41, %dma_wait3A_47] : memref<10240x128xf32, #tpu.memory_space<vmem_shared>> -> memref<80x128xf32, #tpu.memory_space<vmem_shared>>
        %dma_wait3A_49 = arith.constant 0 : i32
        %dma_wait3A_50 = tpu.memref_slice %arg12[%add3A_41, %dma_wait3A_49] : memref<10240x128xf32, #tpu.memory_space<vmem_shared>> -> memref<80x128xf32, #tpu.memory_space<vmem_shared>>
        tpu.wait_dma2 semaphore(%run_scoped3A_42 : memref<!tpu.dma_semaphore, #tpu.memory_space<semaphore_mem>>) src(%dma_wait3A_50 : memref<80x128xf32, #tpu.memory_space<vmem_shared>>) dst(%arg9 : memref<80x128xf32, #tpu.memory_space<vmem>>)
        tpu.yield
      }) : () -> ()
      "tpu.region"() ({
        %run_scoped3A_42 = tpu.sem_alloc : memref<!tpu.dma_semaphore, #tpu.memory_space<semaphore_mem>>
        %dma_start3A_43 = arith.constant 0 : i32
        %dma_start3A_44 = arith.constant 0 : i32
        %dma_start3A_45 = tpu.memref_slice %arg6[%arg0, %dma_start3A_43, %dma_start3A_44] : memref<2x10240x128xf32, #tpu.memory_space<hbm>> -> memref<1x10240x128xf32, #tpu.memory_space<hbm>>
        %dma_start3A_46 = tpu.memref_squeeze %dma_start3A_45 : memref<1x10240x128xf32, #tpu.memory_space<hbm>> -> memref<10240x128xf32, #tpu.memory_space<hbm>>
        %dma_start3A_47 = arith.constant 0 : i32
        %dma_start3A_48 = tpu.memref_slice %dma_start3A_46[%add3A_41, %dma_start3A_47] : memref<10240x128xf32, #tpu.memory_space<hbm>> -> memref<80x128xf32, #tpu.memory_space<hbm>>
        %dma_start3A_49 = arith.constant 0 : i32
        %dma_start3A_50 = arith.constant 0 : i32
        %dma_start3A_51 = tpu.memref_slice %arg6[%arg0, %dma_start3A_49, %dma_start3A_50] : memref<2x10240x128xf32, #tpu.memory_space<hbm>> -> memref<1x10240x128xf32, #tpu.memory_space<hbm>>
        %dma_start3A_52 = tpu.memref_squeeze %dma_start3A_51 : memref<1x10240x128xf32, #tpu.memory_space<hbm>> -> memref<10240x128xf32, #tpu.memory_space<hbm>>
        %dma_start3A_53 = arith.constant 0 : i32
        %dma_start3A_54 = tpu.memref_slice %dma_start3A_52[%add3A_41, %dma_start3A_53] : memref<10240x128xf32, #tpu.memory_space<hbm>> -> memref<80x128xf32, #tpu.memory_space<hbm>>
        tpu.enqueue_dma source(%arg9 : memref<80x128xf32, #tpu.memory_space<vmem>>) target(%dma_start3A_54 : memref<80x128xf32, #tpu.memory_space<hbm>>) target_semaphore(%run_scoped3A_42 : memref<!tpu.dma_semaphore, #tpu.memory_space<semaphore_mem>>)
        %dma_wait3A_55 = arith.constant 0 : i32
        %dma_wait3A_56 = arith.constant 0 : i32
        %dma_wait3A_57 = tpu.memref_slice %arg6[%arg0, %dma_wait3A_55, %dma_wait3A_56] : memref<2x10240x128xf32, #tpu.memory_space<hbm>> -> memref<1x10240x128xf32, #tpu.memory_space<hbm>>
        %dma_wait3A_58 = tpu.memref_squeeze %dma_wait3A_57 : memref<1x10240x128xf32, #tpu.memory_space<hbm>> -> memref<10240x128xf32, #tpu.memory_space<hbm>>
        %dma_wait3A_59 = arith.constant 0 : i32
        %dma_wait3A_60 = tpu.memref_slice %dma_wait3A_58[%add3A_41, %dma_wait3A_59] : memref<10240x128xf32, #tpu.memory_space<hbm>> -> memref<80x128xf32, #tpu.memory_space<hbm>>
        %dma_wait3A_61 = arith.constant 0 : i32
        %dma_wait3A_62 = arith.constant 0 : i32
        %dma_wait3A_63 = tpu.memref_slice %arg6[%arg0, %dma_wait3A_61, %dma_wait3A_62] : memref<2x10240x128xf32, #tpu.memory_space<hbm>> -> memref<1x10240x128xf32, #tpu.memory_space<hbm>>
        %dma_wait3A_64 = tpu.memref_squeeze %dma_wait3A_63 : memref<1x10240x128xf32, #tpu.memory_space<hbm>> -> memref<10240x128xf32, #tpu.memory_space<hbm>>
        %dma_wait3A_65 = arith.constant 0 : i32
        %dma_wait3A_66 = tpu.memref_slice %dma_wait3A_64[%add3A_41, %dma_wait3A_65] : memref<10240x128xf32, #tpu.memory_space<hbm>> -> memref<80x128xf32, #tpu.memory_space<hbm>>
        tpu.wait_dma2 semaphore(%run_scoped3A_42 : memref<!tpu.dma_semaphore, #tpu.memory_space<semaphore_mem>>) src(%arg9 : memref<80x128xf32, #tpu.memory_space<vmem>>) dst(%dma_wait3A_66 : memref<80x128xf32, #tpu.memory_space<hbm>>)
        tpu.yield
      }) : () -> ()
    }
    %scan3A_31 = arith.constant 8 : i32
    "tpu.region"() ({
      %run_scoped3A_32 = tpu.sem_alloc : memref<!tpu.dma_semaphore, #tpu.memory_space<semaphore_mem>>
      %dma_start3A_33 = arith.constant 0 : i32
      %dma_start3A_34 = tpu.memref_slice %arg7[%add3A, %dma_start3A_33] : memref<32x10000xf32, #tpu.memory_space<hbm>> -> memref<1x10000xf32, #tpu.memory_space<hbm>>
      %dma_start3A_35 = tpu.memref_squeeze %dma_start3A_34 : memref<1x10000xf32, #tpu.memory_space<hbm>> -> memref<10000xf32, #tpu.memory_space<hbm>>
      %dma_start3A_36 = arith.constant 0 : i32
      %dma_start3A_37 = tpu.memref_slice %arg7[%add3A, %dma_start3A_36] : memref<32x10000xf32, #tpu.memory_space<hbm>> -> memref<1x10000xf32, #tpu.memory_space<hbm>>
      %dma_start3A_38 = tpu.memref_squeeze %dma_start3A_37 : memref<1x10000xf32, #tpu.memory_space<hbm>> -> memref<10000xf32, #tpu.memory_space<hbm>>
      tpu.enqueue_dma source(%arg11 : memref<10000xf32, #tpu.memory_space<vmem>>) target(%dma_start3A_38 : memref<10000xf32, #tpu.memory_space<hbm>>) target_semaphore(%run_scoped3A_32 : memref<!tpu.dma_semaphore, #tpu.memory_space<semaphore_mem>>)
      %dma_wait3A_39 = arith.constant 0 : i32
      %dma_wait3A_40 = tpu.memref_slice %arg7[%add3A, %dma_wait3A_39] : memref<32x10000xf32, #tpu.memory_space<hbm>> -> memref<1x10000xf32, #tpu.memory_space<hbm>>
      %dma_wait3A_41 = tpu.memref_squeeze %dma_wait3A_40 : memref<1x10000xf32, #tpu.memory_space<hbm>> -> memref<10000xf32, #tpu.memory_space<hbm>>
      %dma_wait3A_42 = arith.constant 0 : i32
      %dma_wait3A_43 = tpu.memref_slice %arg7[%add3A, %dma_wait3A_42] : memref<32x10000xf32, #tpu.memory_space<hbm>> -> memref<1x10000xf32, #tpu.memory_space<hbm>>
      %dma_wait3A_44 = tpu.memref_squeeze %dma_wait3A_43 : memref<1x10000xf32, #tpu.memory_space<hbm>> -> memref<10000xf32, #tpu.memory_space<hbm>>
      tpu.wait_dma2 semaphore(%run_scoped3A_32 : memref<!tpu.dma_semaphore, #tpu.memory_space<semaphore_mem>>) src(%arg11 : memref<10000xf32, #tpu.memory_space<vmem>>) dst(%dma_wait3A_44 : memref<10000xf32, #tpu.memory_space<hbm>>)
      tpu.yield
    }) : () -> ()
    return
  }
}

module attributes {stable_mosaic.version = 14 : i64} {
  func.func @_dense_body(%arg0: i32, %arg1: memref<2x1024x128xf32, #tpu.memory_space<vmem>>, %arg2: memref<32x1024xf32, #tpu.memory_space<vmem>>, %arg3: memref<1024x128xf32, #tpu.memory_space<vmem>>, %arg4: memref<256x128xf32, #tpu.memory_space<vmem>>, %arg5: memref<1x128xf32, #tpu.memory_space<vmem>>, %arg6: memref<256x128xf32, #tpu.memory_space<vmem>>, %arg7: memref<1x128xf32, #tpu.memory_space<vmem>>, %arg8: memref<128x8xf32, #tpu.memory_space<vmem>>, %arg9: memref<1x8xf32, #tpu.memory_space<vmem>>, %arg10: memref<1024x128xf32, #tpu.memory_space<vmem>>, %arg11: memref<1024x8xf32, #tpu.memory_space<vmem>>) attributes {dimension_semantics = [#tpu.dimension_semantics<arbitrary>], iteration_bounds = array<i64: 10>, scalar_prefetch = 0 : i64, scratch_operands = 0 : i64, tpu.core_type = #tpu.core_type<tc>, window_params = [{transform_indices = @transform_0, window_bounds = array<i64: 2, 1024, 128>}, {transform_indices = @transform_1, window_bounds = array<i64: 32, 1024>}, {transform_indices = @transform_2, window_bounds = array<i64: 1024, 128>}, {pipeline_mode = #tpu.pipeline_mode<synchronous>, transform_indices = @transform_3, window_bounds = array<i64: 256, 128>}, {pipeline_mode = #tpu.pipeline_mode<synchronous>, transform_indices = @transform_4, window_bounds = array<i64: 1, 128>}, {pipeline_mode = #tpu.pipeline_mode<synchronous>, transform_indices = @transform_5, window_bounds = array<i64: 256, 128>}, {pipeline_mode = #tpu.pipeline_mode<synchronous>, transform_indices = @transform_6, window_bounds = array<i64: 1, 128>}, {pipeline_mode = #tpu.pipeline_mode<synchronous>, transform_indices = @transform_7, window_bounds = array<i64: 128, 8>}, {pipeline_mode = #tpu.pipeline_mode<synchronous>, transform_indices = @transform_8, window_bounds = array<i64: 1, 8>}, {transform_indices = @transform_9, window_bounds = array<i64: 1024, 128>}, {transform_indices = @transform_10, window_bounds = array<i64: 1024, 8>}]} {
    %get3A = arith.constant 0 : index
    %get3A_0 = arith.constant 0 : index
    %get3A_1 = arith.constant 0 : index
    %get3A_2 = vector.load %arg1[%get3A, %get3A_0, %get3A_1] : memref<2x1024x128xf32, #tpu.memory_space<vmem>>, vector<1x1024x128xf32>
    %get3A_3 = vector.shape_cast %get3A_2 : vector<1x1024x128xf32> to vector<1024x128xf32>
    %get3A_4 = arith.constant 1 : index
    %get3A_5 = arith.constant 0 : index
    %get3A_6 = arith.constant 0 : index
    %get3A_7 = vector.load %arg1[%get3A_4, %get3A_5, %get3A_6] : memref<2x1024x128xf32, #tpu.memory_space<vmem>>, vector<1x1024x128xf32>
    %get3A_8 = vector.shape_cast %get3A_7 : vector<1x1024x128xf32> to vector<1024x128xf32>
    %add3A = arith.addf %get3A_3, %get3A_8 : vector<1024x128xf32>
    %get3A_9 = arith.constant 0 : index
    %get3A_10 = arith.constant 0 : index
    %get3A_11 = vector.load %arg2[%get3A_9, %get3A_10] : memref<32x1024xf32, #tpu.memory_space<vmem>>, vector<32x1024xf32>
    %reduce_sum3A = arith.constant dense<0.000000e+00> : vector<1024xf32>
    %reduce_sum3A_12 = vector.multi_reduction <add>, %get3A_11, %reduce_sum3A [0] : vector<32x1024xf32> to vector<1024xf32>
    %broadcast_in_dim3A = vector.shape_cast %reduce_sum3A_12 : vector<1024xf32> to vector<1024x1xf32>
    %max3A = arith.constant 1.000000e+00 : f32
    %max3A_13 = vector.broadcast %max3A : f32 to vector<1024x1xf32>
    %max3A_14 = arith.maximumf %broadcast_in_dim3A, %max3A_13 : vector<1024x1xf32>
    %div3A = vector.broadcast %max3A_14 : vector<1024x1xf32> to vector<1024x128xf32>
    %div3A_15 = arith.divf %add3A, %div3A : vector<1024x128xf32>
    %get3A_16 = arith.constant 0 : index
    %get3A_17 = arith.constant 0 : index
    %get3A_18 = vector.load %arg3[%get3A_16, %get3A_17] : memref<1024x128xf32, #tpu.memory_space<vmem>>, vector<1024x128xf32>
    %concatenate3A = tpu.concatenate %get3A_18, %div3A_15 in 1 : vector<1024x128xf32>, vector<1024x128xf32> -> vector<1024x256xf32>
    %get3A_19 = arith.constant 0 : index
    %get3A_20 = arith.constant 0 : index
    %get3A_21 = vector.load %arg4[%get3A_19, %get3A_20] : memref<256x128xf32, #tpu.memory_space<vmem>>, vector<256x128xf32>
    %dot_general3A = arith.constant dense<0.000000e+00> : vector<1024x128xf32>
    %dot_general3A_22 = tpu.matmul %concatenate3A, %get3A_21, %dot_general3A {dimension_numbers = #tpu.dot_dimension_numbers<[1], [0], [0], [1], [0, 0, 1, 1], [], []>, transpose_lhs_hint = false} : vector<1024x256xf32>, vector<256x128xf32>, vector<1024x128xf32> -> vector<1024x128xf32>
    %get3A_23 = arith.constant 0 : index
    %get3A_24 = arith.constant 0 : index
    %get3A_25 = vector.load %arg5[%get3A_23, %get3A_24] : memref<1x128xf32, #tpu.memory_space<vmem>>, vector<1x128xf32>
    %add3A_26 = vector.broadcast %get3A_25 : vector<1x128xf32> to vector<1024x128xf32>
    %add3A_27 = arith.addf %dot_general3A_22, %add3A_26 : vector<1024x128xf32>
    %logistic3A = arith.negf %add3A_27 : vector<1024x128xf32>
    %logistic3A_28 = math.exp %logistic3A : vector<1024x128xf32>
    %logistic3A_29 = arith.constant 1.000000e+00 : f32
    %logistic3A_30 = vector.broadcast %logistic3A_29 : f32 to vector<1024x128xf32>
    %logistic3A_31 = arith.addf %logistic3A_30, %logistic3A_28 : vector<1024x128xf32>
    %logistic3A_32 = arith.divf %logistic3A_30, %logistic3A_31 : vector<1024x128xf32>
    %concatenate3A_33 = tpu.concatenate %logistic3A_32, %div3A_15 in 1 : vector<1024x128xf32>, vector<1024x128xf32> -> vector<1024x256xf32>
    %get3A_34 = arith.constant 0 : index
    %get3A_35 = arith.constant 0 : index
    %get3A_36 = vector.load %arg6[%get3A_34, %get3A_35] : memref<256x128xf32, #tpu.memory_space<vmem>>, vector<256x128xf32>
    %dot_general3A_37 = arith.constant dense<0.000000e+00> : vector<1024x128xf32>
    %dot_general3A_38 = tpu.matmul %concatenate3A_33, %get3A_36, %dot_general3A_37 {dimension_numbers = #tpu.dot_dimension_numbers<[1], [0], [0], [1], [0, 0, 1, 1], [], []>, transpose_lhs_hint = false} : vector<1024x256xf32>, vector<256x128xf32>, vector<1024x128xf32> -> vector<1024x128xf32>
    %get3A_39 = arith.constant 0 : index
    %get3A_40 = arith.constant 0 : index
    %get3A_41 = vector.load %arg7[%get3A_39, %get3A_40] : memref<1x128xf32, #tpu.memory_space<vmem>>, vector<1x128xf32>
    %add3A_42 = vector.broadcast %get3A_41 : vector<1x128xf32> to vector<1024x128xf32>
    %add3A_43 = arith.addf %dot_general3A_38, %add3A_42 : vector<1024x128xf32>
    %logistic3A_44 = arith.negf %add3A_43 : vector<1024x128xf32>
    %logistic3A_45 = math.exp %logistic3A_44 : vector<1024x128xf32>
    %logistic3A_46 = arith.constant 1.000000e+00 : f32
    %logistic3A_47 = vector.broadcast %logistic3A_46 : f32 to vector<1024x128xf32>
    %logistic3A_48 = arith.addf %logistic3A_47, %logistic3A_45 : vector<1024x128xf32>
    %logistic3A_49 = arith.divf %logistic3A_47, %logistic3A_48 : vector<1024x128xf32>
    %swap3A = arith.constant 0 : index
    %swap3A_50 = arith.constant 0 : index
    %swap3A_51 = vector.load %arg10[%swap3A, %swap3A_50] : memref<1024x128xf32, #tpu.memory_space<vmem>>, vector<1024x128xf32>
    tpu.vector_store %arg10[%swap3A, %swap3A_50], %logistic3A_49 {strides = array<i32>} : memref<1024x128xf32, #tpu.memory_space<vmem>>, vector<1024x128xf32>,
    %get3A_52 = arith.constant 0 : index
    %get3A_53 = arith.constant 0 : index
    %get3A_54 = vector.load %arg8[%get3A_52, %get3A_53] : memref<128x8xf32, #tpu.memory_space<vmem>>, vector<128x8xf32>
    %dot_general3A_55 = arith.constant dense<0.000000e+00> : vector<1024x8xf32>
    %dot_general3A_56 = tpu.matmul %logistic3A_49, %get3A_54, %dot_general3A_55 {dimension_numbers = #tpu.dot_dimension_numbers<[1], [0], [0], [1], [0, 0, 1, 1], [], []>, transpose_lhs_hint = false} : vector<1024x128xf32>, vector<128x8xf32>, vector<1024x8xf32> -> vector<1024x8xf32>
    %get3A_57 = arith.constant 0 : index
    %get3A_58 = arith.constant 0 : index
    %get3A_59 = vector.load %arg9[%get3A_57, %get3A_58] : memref<1x8xf32, #tpu.memory_space<vmem>>, vector<1x8xf32>
    %add3A_60 = vector.broadcast %get3A_59 : vector<1x8xf32> to vector<1024x8xf32>
    %add3A_61 = arith.addf %dot_general3A_56, %add3A_60 : vector<1024x8xf32>
    %swap3A_62 = arith.constant 0 : index
    %swap3A_63 = arith.constant 0 : index
    %swap3A_64 = vector.load %arg11[%swap3A_62, %swap3A_63] : memref<1024x8xf32, #tpu.memory_space<vmem>>, vector<1024x8xf32>
    tpu.vector_store %arg11[%swap3A_62, %swap3A_63], %add3A_61 {strides = array<i32>} : memref<1024x8xf32, #tpu.memory_space<vmem>>, vector<1024x8xf32>,
    return
  }
  func.func @transform_0(%arg0: i32) -> (i32, i32, i32) {
    %c0_i32 = arith.constant 0 : i32
    %c0_i32_0 = arith.constant 0 : i32
    %c0_i32_1 = arith.constant 0 : i32
    return %c0_i32, %arg0, %c0_i32_0 : i32, i32, i32
  }
  func.func @transform_1(%arg0: i32) -> (i32, i32) {
    %c0_i32 = arith.constant 0 : i32
    %c0_i32_0 = arith.constant 0 : i32
    return %c0_i32, %arg0 : i32, i32
  }
  func.func @transform_2(%arg0: i32) -> (i32, i32) {
    %c0_i32 = arith.constant 0 : i32
    %c0_i32_0 = arith.constant 0 : i32
    return %arg0, %c0_i32 : i32, i32
  }
  func.func @transform_3(%arg0: i32) -> (i32, i32) {
    %c0_i32 = arith.constant 0 : i32
    %c0_i32_0 = arith.constant 0 : i32
    %c0_i32_1 = arith.constant 0 : i32
    return %c0_i32, %c0_i32_0 : i32, i32
  }
  func.func @transform_4(%arg0: i32) -> (i32, i32) {
    %c0_i32 = arith.constant 0 : i32
    %c0_i32_0 = arith.constant 0 : i32
    %c0_i32_1 = arith.constant 0 : i32
    return %c0_i32, %c0_i32_0 : i32, i32
  }
  func.func @transform_5(%arg0: i32) -> (i32, i32) {
    %c0_i32 = arith.constant 0 : i32
    %c0_i32_0 = arith.constant 0 : i32
    %c0_i32_1 = arith.constant 0 : i32
    return %c0_i32, %c0_i32_0 : i32, i32
  }
  func.func @transform_6(%arg0: i32) -> (i32, i32) {
    %c0_i32 = arith.constant 0 : i32
    %c0_i32_0 = arith.constant 0 : i32
    %c0_i32_1 = arith.constant 0 : i32
    return %c0_i32, %c0_i32_0 : i32, i32
  }
  func.func @transform_7(%arg0: i32) -> (i32, i32) {
    %c0_i32 = arith.constant 0 : i32
    %c0_i32_0 = arith.constant 0 : i32
    %c0_i32_1 = arith.constant 0 : i32
    return %c0_i32, %c0_i32_0 : i32, i32
  }
  func.func @transform_8(%arg0: i32) -> (i32, i32) {
    %c0_i32 = arith.constant 0 : i32
    %c0_i32_0 = arith.constant 0 : i32
    %c0_i32_1 = arith.constant 0 : i32
    return %c0_i32, %c0_i32_0 : i32, i32
  }
  func.func @transform_9(%arg0: i32) -> (i32, i32) {
    %c0_i32 = arith.constant 0 : i32
    %c0_i32_0 = arith.constant 0 : i32
    return %arg0, %c0_i32 : i32, i32
  }
  func.func @transform_10(%arg0: i32) -> (i32, i32) {
    %c0_i32 = arith.constant 0 : i32
    %c0_i32_0 = arith.constant 0 : i32
    return %arg0, %c0_i32 : i32, i32
  }
}

</mosaic_0001>

<sc_bundles>
// kernel: kernel.5.cloned.1.call-start
scs
__scs_entry_jumppad:
0x0: {  	(pc) =	sbr.rel $0x88, $3  }
0x1: {  	(tag) =	ssettag $0x0;
	lr =	simm.s32 $0x1  }
0x2: {  	[smem:$0x3F98] =	sst lr;
	_ =	strace $0xD0000000  }
0x3: {  	_ = 	snop  }
0x4: {  	_ = 	snop  }
0x5: {  	_ = 	snop  }
0x6: {  	_ = 	snop  }
0x7: {  	_ = 	snop  }
__scs_overlays_trampoline_lowered:
0x8: {  	[smem:$0x3FA7] =	sst s0  }
0x9: {  	[smem:$0x3FA8] =	sst s1  }
0xa: {  	[smem:$0x3FA9] =	sst s2  }
0xb: {  	[smem:$0x3FAA] =	sst s3  }
0xc: {  	[smem:$0x3FAB] =	sst s4  }
0xd: {  	[smem:$0x3FAC] =	sst s5  }
0xe: {  	[smem:$0x3FAD] =	sst s6  }
0xf: {  	[smem:$0x3FAE] =	sst s7  }
0x10: {  	[smem:$0x3FAF] =	sst s8  }
0x11: {  	[smem:$0x3FB0] =	sst s9;
	s0 =	simm.s32 @!p0 $0x0  }
0x12: {  	s1 =	sld [smem:$0x3F96];
	s0 =	simm.s32 @p0 $0x1  }
0x13: {  	[smem:$0x3FB1] =	sst s0;
	s0 =	simm.s32 @!p1 $0x0  }
0x14: {  	s2 =	sld [smem:$0x3F95];
	s0 =	simm.s32 @p1 $0x1  }
0x15: {  	[smem:$0x3FB2] =	sst s0;
	s0 =	simm.s32 @!p2 $0x0  }
0x16: {  	s3 =	sld [smem:$0x3FDB];
	s0 =	simm.s32 @p2 $0x1  }
0x17: {  	s4 =	simm.s32 $0x1BF5;
	[smem:$0x3FB4] =	sst s0  }
0x18: {  	s0 =	sld [smem:$0x3F97];
	_ =	swait.ge [sflag:s4], $0x0  }
0x19: {  	s7 =	sld [smem:$0x3F98]  }
0x1a: {  	s8 =	sadd.s32 $0xFFFFE003, lr  }
0x1b: {  	s9 =	sadd.s32 $0xFFFFFEF7, lr;
	s5 =	simm.s32 $0xFFFFFFFF;
	p2 =	slt.u32 s8, $0xFFFFF086  }
0x1c: {  	p1 =	slt.u32 s9, $0xF7A;
	s5 =	simm.s32 @!p2 $0x0  }
0x1d: {  	s5 =	simm.s32 @p1 $0x1;
	p0 =	seq.s32 s7, s2  }
0x1e: {  	s7 =	smul.u32 @!p0 $0xF7A, s2;
	p2 =	seq.s32 @!p0 s5, $0x0  }
0x1f: {  	s9 =	smul.u32 $0xF7A, s1;
	s8 =	simm.s32 @!p0 $0x1BF5;
	p2 =	por !p2, p0  }
0x20: {  	[sflag:s8] =	ssyncset.s32 @!p0 $0xFFFFF086;
	s6 =	sadd.s32 @!p0 s3, s7;
	s7 =	simm.s32 @!p0 $0x108  }
0x21: {  	s3 =	sadd.s32 s3, s9;
	s6 =	sadd.s32 @!p0 $0x88, s6;
	s7 =	simm.s32 @p2 $0x1082  }
0x22: {  	[simem:s7], [sflag:s8] =	dma.local @!p0 [hbm:s6], $0xF7A  }
0x23: {  	s9 =	sor.u32 $0xD0000000, s2;
	s6 =	simm.s32 $0x108;
	_ =	swait.ge @!p0 [sflag:s8], $0x0  }
0x24: {  	s3 =	sadd.s32 $0x88, s3;
	s6 =	simm.s32 @!p1 $0x1082;
	[sflag:s4] =	ssyncset.s32 $0xFFFFF086  }
0x25: {  	[simem:s6], [sflag:s4] =	dma.local [hbm:s3], $0xF7A  }
0x26: {  	[smem:$0x3F98] =	sst s1;
	(tag) =	ssettag s2;
	_ =	strace s9  }
0x27: {  	s1 =	sld [smem:$0x3FA8]  }
0x28: {  	s2 =	sld [smem:$0x3FA9]  }
0x29: {  	s4 =	sld [smem:$0x3FAB]  }
0x2a: {  	p0 =	seq.s32 s5, $0x0;
	s5 =	sld [smem:$0x3FAC]  }
0x2b: {  	s6 =	sld [smem:$0x3FAD]  }
0x2c: {  	s7 =	sld [smem:$0x3FAE]  }
0x2d: {  	s3 =	simm.s32 $0x108;
	s8 =	sld [smem:$0x3FAF]  }
0x2e: {  	s3 =	simm.s32 @!p0 $0x1082;
	s9 =	sld [smem:$0x3FB0]  }
0x2f: {  	lr =	sadd.s32 s0, s3;
	s0 =	sld [smem:$0x3FA7]  }
0x30: {  	s3 =	sld [smem:$0x3FAA]  }
0x31: {  	[smem:$0x3FB3] =	sst s10  }
0x32: {  	s10 =	sld [smem:$0x3FB1];
	_ =	sdelay $0x3  }
0x33: {  	p0 =	seq.s32 s10, $0x1;
	s10 =	sld [smem:$0x3FB3];
	_ =	sdelay $0x3  }
0x34: {  	[smem:$0x3FB3] =	sst s10  }
0x35: {  	s10 =	sld [smem:$0x3FB2];
	_ =	sdelay $0x3  }
0x36: {  	p1 =	seq.s32 s10, $0x1;
	s10 =	sld [smem:$0x3FB3];
	_ =	sdelay $0x3  }
0x37: {  	[smem:$0x3FB3] =	sst s10  }
0x38: {  	s10 =	sld [smem:$0x3FB4]  }
0x39: {  	_ = 	snop;
	(pc) =	sbr.ind lr, $3  }
0x3a: {  	_ = 	snop  }
0x3b: {  	_ = 	snop  }
0x3c: {  	p2 =	seq.s32 s10, $0x1;
	s10 =	sld [smem:$0x3FB3]  }
0x3d: {  	_ =	shalt  }
0x3e: {  	_ =	shalt  }
0x3f: {  	_ =	shalt  }
0x40: {  	_ =	shalt  }
0x41: {  	_ =	shalt  }
0x42: {  	_ =	shalt  }
0x43: {  	_ =	shalt  }
0x44: {  	_ =	shalt  }
0x45: {  	_ =	shalt  }
0x46: {  	_ =	shalt  }
0x47: {  	_ =	shalt  }
0x48: {  	_ =	shalt  }
0x49: {  	_ =	shalt  }
0x4a: {  	_ =	shalt  }
0x4b: {  	_ =	shalt  }
0x4c: {  	_ =	shalt  }
0x4d: {  	_ =	shalt  }
0x4e: {  	_ =	shalt  }
0x4f: {  	_ =	shalt  }
0x50: {  	_ =	shalt  }
0x51: {  	_ =	shalt  }
0x52: {  	_ =	shalt  }
0x53: {  	_ =	shalt  }
0x54: {  	_ =	shalt  }
0x55: {  	_ =	shalt  }
0x56: {  	_ =	shalt  }
0x57: {  	_ =	shalt  }
0x58: {  	_ =	shalt  }
0x59: {  	_ =	shalt  }
0x5a: {  	_ =	shalt  }
0x5b: {  	_ =	shalt  }
0x5c: {  	_ =	shalt  }
0x5d: {  	_ =	shalt  }
0x5e: {  	_ =	shalt  }
0x5f: {  	_ =	shalt  }
0x60: {  	_ =	shalt  }
0x61: {  	_ =	shalt  }
0x62: {  	_ =	shalt  }
0x63: {  	_ =	shalt  }
0x64: {  	_ =	shalt  }
0x65: {  	_ =	shalt  }
0x66: {  	_ =	shalt  }
0x67: {  	_ =	shalt  }
0x68: {  	_ =	shalt  }
0x69: {  	_ =	shalt  }
0x6a: {  	_ =	shalt  }
0x6b: {  	_ =	shalt  }
0x6c: {  	_ =	shalt  }
0x6d: {  	_ =	shalt  }
0x6e: {  	_ =	shalt  }
0x6f: {  	_ =	shalt  }
0x70: {  	_ =	shalt  }
0x71: {  	_ =	shalt  }
0x72: {  	_ =	shalt  }
0x73: {  	_ =	shalt  }
0x74: {  	_ =	shalt  }
0x75: {  	_ =	shalt  }
0x76: {  	_ =	shalt  }
0x77: {  	_ =	shalt  }
0x78: {  	_ =	shalt  }
0x79: {  	_ =	shalt  }
0x7a: {  	_ =	shalt  }
0x7b: {  	_ =	shalt  }
0x7c: {  	_ =	shalt  }
0x7d: {  	_ =	shalt  }
0x7e: {  	_ =	shalt  }
0x7f: {  	_ =	shalt  }
0x80: {  	_ =	shalt  }
0x81: {  	_ =	shalt  }
0x82: {  	_ =	shalt  }
0x83: {  	_ =	shalt  }
0x84: {  	_ =	shalt  }
0x85: {  	_ =	shalt  }
0x86: {  	_ =	shalt  }
0x87: {  	_ =	shalt  }
.Lfunc_end0:
.L_simem_size_0:
called_computation_lowered:
.L_overlay_start_0:
0x88: {  	s2 =	sld [smem:$0x3FD9]  }
0x89: {  	s3 =	sld [smem:$0x3FFE];
	_ =	sdelay $0x1  }
0x8a: {  	s1 =	srdreg.scid  }
0x8b: {  	s0 =	sand.u32 $0x1, s1  }
0x8c: {  	s14 =	sshll.u32 s0, $0xA;
	s2 =	sadd.s32 s3, s2  }
0x8d: {  	s2 =	sadd.s32 s2, s14  }
0x8e: {  	[smem:$0x3FBF] =	sst s2  }
0x8f: {  	_ = 	snop  }
0x90: {  	s2 =	sld [smem:$0x3FD0];
	_ =	sdelay $0x2  }
0x91: {  	s4 =	simm.s32 $0xA;
	s5 =	simm.s32 $0x10;
	s15 =	sld [smem:$0x3FC9]  }
0x92: {  	[smem:s5], [sflag:s4] =	dma.local [hbm:s2], $0x1  }
0x93: {  	_ =	swait.eq [sflag:s4], $0x1  }
0x94: {  	[sflag:s4] =	ssyncset.done $0x0  }
0x95: {  	s16 =	sld [smem:$0x10];
	[sflag:s4] =	ssyncadd.s32 $0xFFFFFFFF  }
0x96: {  	s17 =	sld [smem:$0x11];
	(tm) =	ssettm $0x1  }
0x97: {  	s18 =	sld [smem:$0x3FFB];
	_ =	sdelay $0x3  }
0x98: {  	_ =	strace s18  }
0x99: {  	s5 =	sld [smem:$0x3FFC];
	_ =	sdelay $0x3  }
0x9a: {  	_ =	strace s5  }
0x9b: {  	s5 =	sld [smem:$0x3FFD];
	_ =	sdelay $0x3  }
0x9c: {  	_ =	strace s5  }
0x9d: {  	_ =	strace $0x8FFFFFFF  }
0x9e: {  	s19 =	sld [smem:$0x3FDB];
	_ =	sdelay $0x1  }
0x9f: {  	s6 =	simm.s32 $_scs_section_size  }
0xa0: {  	s7 =	simm.s32 $_size__tile_overlayer_lowered;
	s8 =	simm.s32 $_tile_overlayer_lowered  }
0xa1: {  	s22 =	simm.s32 $0x1BFF;
	s21 =	sshll.u32 s8, $0x1;
	s5 =	sadd.s32 s6, s19  }
0xa2: {  	s9 =	simm.s32 $0x0;
	s20 =	sshll.u32 s7, $0x1;
	s7 =	sadd.s32 s21, s5  }
0xa3: {  	[timem:s9], [sflag:s22] =	dma.local [hbm:s7], s20  }
0xa4: {  	_ =	swait.ge [sflag:s22], s20  }
0xa5: {  	s6 =	ssub.s32 $0x0, s20;
	[sflag:s22] =	ssyncset.done $0x0  }
0xa6: {  	[sflag:s22] =	ssyncadd.s32 s6;
	_ =	sdelay $0x1  }
0xa7: {  	s23 =	simm.s32 $0x1B8B  }
0xa8: {  	_ =	swait.ge [sflag:s23], $0x1  }
0xa9: {  	[sflag:s23] =	ssyncset.done $0x0  }
0xaa: {  	s25 =	simm.s32 $0x1B8E;
	s24 =	sld [smem:$0x3FFE];
	[sflag:s23] =	ssyncadd.s32 $0xFFFFFFFF  }
0xab: {  	s26 =	simm.s32 $execute0_lowered;
	[smem:$0x3FD2] =	sst s25  }
0xac: {  	s7 =	sshll.u32 s26, $0x1;
	_ =	strace $0x80000046;
	[dreg:$0x1] =	wrdreg $0xFFFFFFFF  }
0xad: {  	s28 =	simm.s32 $_size_execute0_lowered;
	s5 =	sadd.s32 s5, s7;
	[dreg:$0x0] =	wrdreg $0x0  }
0xae: {  	s7 =	sshll.u32 s28, $0x1;
	[dreg:$0x2] =	wrdreg s5  }
0xaf: {  	[dreg:$0x3] =	wrdreg s7  }
0xb0: {  	[dreg:$0x4] =	wrdreg $0xC0  }
0xb1: {  	_ =	task [dreg:s9], $0x5FFFF  }
0xb2: {  	[dreg:$0x1] =	wrdreg $0xFFFFFFFF  }
0xb3: {  	[dreg:$0x0] =	wrdreg $0x60  }
0xb4: {  	[dreg:$0x2] =	wrdreg s15  }
0xb5: {  	[dreg:$0x3] =	wrdreg s24  }
0xb6: {  	[dreg:$0x4] =	wrdreg s16  }
0xb7: {  	[dreg:$0x5] =	wrdreg s17  }
0xb8: {  	[dreg:$0x6] =	wrdreg $0xB7800  }
0xb9: {  	[dreg:$0x7] =	wrdreg $0x9  }
0xba: {  	_ =	task.clear_ibuf [dreg:s9], $0x8FFFF;
	_ =	strace $0x90000046  }
0xbb: {  	s29 =	simm.s32 $0x9;
	_ =	strace $0x80000048  }
0xbc: {  	_ =	swait.ge [sflag:s29], $0x1  }
0xbd: {  	[sflag:s29] =	ssyncadd.s32 $0xFFFFFFFF  }
0xbe: {  	_ =	strace $0x90000048  }
0xbf: {  	_ =	sfence  }
0xc0: {  	s30 =	sld [smem:$0x0];
	_ =	sdelay $0x2  }
0xc1: {  	s31 =	sshll.u32 s1, $0xD;
	s1 =	sshrl.u32 s1, $0x2  }
0xc2: {  	s3 =	sand.u32 $0x4000, s31;
	s1 =	sadd.s32 s1, s30  }
0xc3: {  	s0 =	sor.u32 s3, s0;
	s1 =	sshll.u32 s1, $0x11  }
0xc4: {  	s0 =	sor.u32 s1, s0  }
0xc5: {  	s0 =	sadd.s32 $0x8F2B, s0  }
0xc6: {  	[sflag:s0] =	ssyncadd.remote.s32 $0x1  }
0xc7: {  	_ =	sfence.sel $0xFFFF  }
0xc8: {  	[dreg:$0x0] =	wrdreg $0xFFFFFFFF;
	(pc) =	sbr.abs _section_cstart, $3  }
0xc9: {  	[dreg:$0x1] =	wrdreg $0xFFFFFFFF  }
0xca: {  	_ =	task.clear_ibuf [dreg:s9], $0x2FFFF;
	_ =	strace $0x9FFFFFFF  }
0xcb: {  	(tm) =	ssettm $0x7FFFFFFF  }
tec
execute0_lowered:
.L_overlay_start_1:
0x0: {  	(tag) =	ssettag $0x1  }
0x1: {  	s0 =	rddreg [dreg:$0x0]  }
0x2: {  	s1 =	rddreg [dreg:$0x1]  }
0x3: {  	s2 =	rddreg [dreg:$0x3]  }
0x4: {  	s3 =	rddreg [dreg:$0x4]  }
0x5: {  	s14 =	stileid.u32;
	s4 =	simm.s32 $0x0;
	s5 =	srdreg.scid  }
0x6: {  	s28 =	simm.s32 $0x4000;
	s29 =	simm.s32 $0x3;
	s30 =	simm.s32 $0x9000  }
0x7: {  	s31 =	simm.s32 $0x1;
	s6 =	sshrl.u32 s14, $0x2;
	s8 =	smul.u32 $0x280, s14  }
0x8: {  	s5 =	sand.u32 $0x1, s5;
	s7 =	sshll.u32 s14, $0x1;
	s6 =	smul.u32 $0x13C00, s6  }
0x9: {  	[smem:$0x7FF] =	sst s4;
	s7 =	sor.u32 s5, s7;
	s13 =	smul.u32 $0x28000, s5  }
0xa: {  	s10 =	ssub.s32 $0x2, s5;
	s5 =	smul.u32 $0x27100, s5;
	s9 =	sshll.u32 s7, $0x7  }
0xb: {  	s11 =	smul.u32 $0x27100, s7;
	s12 =	sshrl.u32 s10, $0x1;
	s17 =	sor.u32 $0x50, s8  }
0xc: {  	s20 =	sadd.s32 $0xA0, s8;
	s21 =	sadd.s32 $0xF0, s8;
	s22 =	sadd.s32 $0x140, s8  }
0xd: {  	s23 =	sadd.s32 $0x190, s8;
	s24 =	sadd.s32 $0x1E0, s8;
	s25 =	sadd.s32 $0x230, s8  }
0xe: {  	s9 =	sand.u32 $0x380, s9;
	s18 =	ssub.s32 s10, s12;
	s2 =	sadd.s32 s2, s13  }
0xf: {  	s12 =	sshll.u32 s17, $0x4;
	s16 =	sshll.u32 s20, $0x4;
	s19 =	sshll.u32 s21, $0x4  }
0x10: {  	s13 =	sshll.u32 s22, $0x4;
	s26 =	sshll.u32 s23, $0x4;
	s15 =	sshll.u32 s24, $0x4  }
0x11: {  	s20 =	sshll.u32 s20, $0x7;
	s21 =	sshll.u32 s21, $0x7;
	s22 =	sshll.u32 s22, $0x7  }
0x12: {  	s23 =	sshll.u32 s23, $0x7;
	s6 =	sor.u32 s6, s9;
	s9 =	smul.u32 $0x2800, s14  }
0x13: {  	s24 =	sshll.u32 s24, $0x7;
	s10 =	sadd.s32 s0, s11;
	s11 =	smul.u32 $0x4E200, s14  }
0x14: {  	s8 =	sadd.s32 s12, s2;
	s16 =	sadd.s32 s16, s2;
	s19 =	sadd.s32 s19, s2  }
0x15: {  	s12 =	sadd.s32 s15, s2;
	s18 =	smax.u32 s18, $0x1;
	[dreg:$0x6] =	wrdreg s10  }
0x16: {  	s20 =	sadd.s32 s20, s3;
	s21 =	sadd.s32 s21, s3;
	[dreg:$0x8] =	wrdreg s8  }
0x17: {  	s22 =	sadd.s32 s22, s3;
	s23 =	sadd.s32 s23, s3;
	[dreg:$0x9] =	wrdreg s16  }
0x18: {  	s24 =	sadd.s32 s24, s3;
	[dreg:$0xa] =	wrdreg s19;
	s10 =	sadd.s32 s13, s2  }
0x19: {  	s8 =	smul.u32 $0x50000, s14;
	s14 =	sadd.s32 $0x11200, s1;
	s19 =	sshll.u32 s17, $0x7  }
0x1a: {  	s0 =	sadd.s32 s11, s0;
	s9 =	sadd.s32 s9, s2;
	s11 =	sadd.s32 s26, s2  }
0x1b: {  	s26 =	sshll.u32 s25, $0x4;
	s19 =	sadd.s32 s19, s3;
	s0 =	sadd.s32 s5, s0  }
0x1c: {  	[dreg:$0x7] =	wrdreg s9;
	s13 =	sadd.s32 s26, s2;
	s5 =	sshll.u32 s7, $0xB  }
0x1d: {  	s7 =	sshrl.u32 s6, $0x3;
	s9 =	sshrl.u32 s8, $0x2;
	s26 =	sshll.u32 s25, $0x7  }
0x1e: {  	_ =	strace $0x80000047;
	s2 =	sadd.s32 s5, s1;
	s5 =	sadd.s32 s7, s1  }
0x1f: {  	s17 =	sadd.s32 s9, s3;
	s25 =	sadd.s32 s26, s3;
	s7 =	sadd.s32 $0xA00, s0  }
0x20: {  	s0 =	simm.s32 $0x6800;
	s1 =	simm.s32 $0x50;
	s15 =	sadd.s32 $0x1200, s2  }
0x21: {  	v0 =	vimm.f32 $1.000000000e+00;
	s16 =	sadd.s32 $0x11800, s5;
	s2 =	simm.s32 $0x2;
	s5 =	simm.s32 $0x0  }
.LBB2_1:
0x22: {  	s6 =	rddreg [dreg:$0x2]  }
0x23: {  	[tilespmem:s28], [sflag:$0x3] =	stream.linear.gather [hbm4b:s6+s4], $0x2800, $0x38;
	[tilespmem:$0x1F780] =	vst v63  }
0x24: {  	_ =	swait.ge [sflag:s29], $0x2800  }
0x25: {  	[sflag:s29] =	ssyncset.done $0x0  }
0x26: {  	[sflag:s29] =	ssyncadd.s32 $0xFFFFD800  }
0x27: {  	[tilespmem:s30], [sflag:$0x3] =	stream.linear.gather [hbm4b:s14+s4], $0x2780, $0x38;
	[tilespmem:$0x1F780] =	vst v63  }
0x28: {  	_ =	swait.ge [sflag:s29], $0x2780  }
0x29: {  	[sflag:s29] =	ssyncset.done $0x0  }
0x2a: {  	[sflag:s29] =	ssyncadd.s32 $0xFFFFD880  }
0x2b: {  	[spmem:s17] =	stream.linear.scatter [tilespmem:s28], [sflag:$0x3], $0x2800, $0x38;
	[tilespmem:$0x1F780] =	vst v63  }
0x2c: {  	_ =	swait.ge [sflag:s29], $0x2800  }
0x2d: {  	[sflag:s29] =	ssyncset.done $0x0  }
0x2e: {  	[sflag:s29] =	ssyncadd.s32 $0xFFFFD800  }
0x2f: {  	[spmem:s19] =	stream.linear.scatter [tilespmem:s28], [sflag:$0x3], $0x2800, $0x38;
	[tilespmem:$0x1F780] =	vst v63  }
0x30: {  	_ =	swait.ge [sflag:s29], $0x2800  }
0x31: {  	[sflag:s29] =	ssyncset.done $0x0  }
0x32: {  	[sflag:s29] =	ssyncadd.s32 $0xFFFFD800  }
0x33: {  	[spmem:s20] =	stream.linear.scatter [tilespmem:s28], [sflag:$0x3], $0x2800, $0x38;
	[tilespmem:$0x1F780] =	vst v63  }
0x34: {  	_ =	swait.ge [sflag:s29], $0x2800  }
0x35: {  	[sflag:s29] =	ssyncset.done $0x0  }
0x36: {  	[sflag:s29] =	ssyncadd.s32 $0xFFFFD800  }
0x37: {  	[spmem:s21] =	stream.linear.scatter [tilespmem:s28], [sflag:$0x3], $0x2800, $0x38;
	[tilespmem:$0x1F780] =	vst v63  }
0x38: {  	_ =	swait.ge [sflag:s29], $0x2800  }
0x39: {  	[sflag:s29] =	ssyncset.done $0x0  }
0x3a: {  	[sflag:s29] =	ssyncadd.s32 $0xFFFFD800  }
0x3b: {  	[spmem:s22] =	stream.linear.scatter [tilespmem:s28], [sflag:$0x3], $0x2800, $0x38;
	[tilespmem:$0x1F780] =	vst v63  }
0x3c: {  	_ =	swait.ge [sflag:s29], $0x2800  }
0x3d: {  	[sflag:s29] =	ssyncset.done $0x0  }
0x3e: {  	[sflag:s29] =	ssyncadd.s32 $0xFFFFD800  }
0x3f: {  	[spmem:s23] =	stream.linear.scatter [tilespmem:s28], [sflag:$0x3], $0x2800, $0x38;
	[tilespmem:$0x1F780] =	vst v63  }
0x40: {  	_ =	swait.ge [sflag:s29], $0x2800  }
0x41: {  	[sflag:s29] =	ssyncset.done $0x0  }
0x42: {  	[sflag:s29] =	ssyncadd.s32 $0xFFFFD800  }
0x43: {  	[spmem:s24] =	stream.linear.scatter [tilespmem:s28], [sflag:$0x3], $0x2800, $0x38;
	[tilespmem:$0x1F780] =	vst v63  }
0x44: {  	_ =	swait.ge [sflag:s29], $0x2800  }
0x45: {  	[sflag:s29] =	ssyncset.done $0x0  }
0x46: {  	[sflag:s29] =	ssyncadd.s32 $0xFFFFD800  }
0x47: {  	[spmem:s25] =	stream.linear.scatter [tilespmem:s28], [sflag:$0x3], $0x2800, $0x38;
	[tilespmem:$0x1F780] =	vst v63  }
0x48: {  	_ =	swait.ge [sflag:s29], $0x2800  }
0x49: {  	[sflag:s29] =	ssyncset.done $0x0  }
0x4a: {  	[sflag:s29] =	ssyncadd.s32 $0xFFFFD800  }
0x4b: {  	[tilespmem:s4], [sflag:$0x3] =	stream.linear.gather [hbm4b:s15+s4], $0x3E80, $0x38;
	[tilespmem:$0x1F780] =	vst v63  }
0x4c: {  	_ =	swait.ge [sflag:s29], $0x3E80  }
0x4d: {  	[sflag:s29] =	ssyncset.done $0x0  }
0x4e: {  	[sflag:s29] =	ssyncadd.s32 $0xFFFFC180  }
0x4f: {  	[bflag:$0x0] =	sbarrier.arrive $0xFFFF  }
0x50: {  	s26 =	rddreg [dreg:$0x6]  }
0x51: {  	[tilespmem:s28], [sflag:$0x1] =	stream.linear.gather [hbm4b:s26+s4], $0x2800, $0x38;
	[tilespmem:$0x1F780] =	vst v63  }
0x52: {  	_ =	swait.ge [sflag:s31], $0x2800  }
0x53: {  	[sflag:s31] =	ssyncset.done $0x0  }
0x54: {  	s8 =	sadd.s32 $0xFFFFFB00, s7;
	[sflag:s31] =	ssyncadd.s32 $0xFFFFD800  }
0x55: {  	[tilespmem:s0], [sflag:$0x2] =	stream.linear.gather [hbm4b:s8+s4], $0x2800, $0x38;
	[tilespmem:$0x1F780] =	vst v63  }
0x56: {  	s9 =	simm.s32 $0x0  }
0x57: {  	[spmem:s3] =	stream.indirect.scatter.add.f32 [tilespmem:s28], [sflag:$0x3], $0x80, s9, s1, $0xb8;
	[tilespmem:$0x1F780] =	vst v63  }
0x58: {  	_ =	swait.ge [sflag:s29], $0x2800  }
0x59: {  	[sflag:s29] =	ssyncset.done $0x0  }
0x5a: {  	[sflag:s29] =	ssyncadd.s32 $0xFFFFD800  }
0x5b: {  	_ =	swait.ge [sflag:s2], $0x2800  }
0x5c: {  	[sflag:s2] =	ssyncset.done $0x0  }
0x5d: {  	[sflag:s2] =	ssyncadd.s32 $0xFFFFD800  }
0x5e: {  	[tilespmem:s28], [sflag:$0x1] =	stream.linear.gather [hbm4b:s7+s4], $0x2800, $0x38;
	[tilespmem:$0x1F780] =	vst v63  }
0x5f: {  	s26 =	simm.s32 $0x80  }
0x60: {  	[spmem:s3] =	stream.indirect.scatter.add.f32 [tilespmem:s0], [sflag:$0x3], $0x80, s26, s1, $0xb8;
	[tilespmem:$0x1F780] =	vst v63  }
0x61: {  	_ =	swait.ge [sflag:s29], $0x2800  }
0x62: {  	s6 =	simm.s32 $0x400;
	s26 =	smov.u32 s7;
	[sflag:s29] =	ssyncset.done $0x0  }
.LBB2_2:
0x63: {  	p0 =	sne.s32 s6, $0xF400;
	[sflag:s29] =	ssyncadd.s32 $0xFFFFD800;
	s26 =	sadd.s32 $0xA00, s26  }
0x64: {  	s8 =	smov.u32 s6;
	s6 =	sadd.s32 $0x400, s6  }
0x65: {  	_ =	swait.ge [sflag:s31], $0x2800  }
0x66: {  	[sflag:s31] =	ssyncset.done $0x0  }
0x67: {  	s9 =	sadd.s32 $0xFFFFFB00, s26;
	[sflag:s31] =	ssyncadd.s32 $0xFFFFD800  }
0x68: {  	[tilespmem:s0], [sflag:$0x2] =	stream.linear.gather [hbm4b:s9+s4], $0x2800, $0x38;
	[tilespmem:$0x1F780] =	vst v63  }
0x69: {  	s8 =	sshra.s32 s8, $0x2  }
0x6a: {  	[spmem:s3] =	stream.indirect.scatter.add.f32 [tilespmem:s28], [sflag:$0x3], $0x80, s8, s1, $0xb8;
	[tilespmem:$0x1F780] =	vst v63  }
0x6b: {  	_ =	swait.ge [sflag:s29], $0x2800  }
0x6c: {  	[sflag:s29] =	ssyncset.done $0x0  }
0x6d: {  	[sflag:s29] =	ssyncadd.s32 $0xFFFFD800  }
0x6e: {  	_ =	swait.ge [sflag:s2], $0x2800  }
0x6f: {  	[sflag:s2] =	ssyncset.done $0x0  }
0x70: {  	[sflag:s2] =	ssyncadd.s32 $0xFFFFD800  }
0x71: {  	[tilespmem:s28], [sflag:$0x1] =	stream.linear.gather [hbm4b:s26+s4], $0x2800, $0x38;
	[tilespmem:$0x1F780] =	vst v63  }
.Ltmp0:
0x72: {  	_ = 	snop;
	(pc) =	sbr.rel @p0 .LBB2_2-.Ltmp0, $4  }
0x73: {  	s8 =	sadd.s32 $0x80, s8  }
0x74: {  	[spmem:s3] =	stream.indirect.scatter.add.f32 [tilespmem:s0], [sflag:$0x3], $0x80, s8, s1, $0xb8;
	[tilespmem:$0x1F780] =	vst v63  }
0x75: {  	_ =	swait.ge [sflag:s29], $0x2800  }
0x76: {  	[sflag:s29] =	ssyncset.done $0x0  }
0x77: {  	[sflag:s29] =	ssyncadd.s32 $0xFFFFD800  }
0x78: {  	_ =	swait.ge [sflag:s31], $0x2800  }
0x79: {  	[sflag:s31] =	ssyncset.done $0x0  }
0x7a: {  	s6 =	simm.s32 $0x3E00;
	[sflag:s31] =	ssyncadd.s32 $0xFFFFD800  }
0x7b: {  	[spmem:s3] =	stream.indirect.scatter.add.f32 [tilespmem:s28], [sflag:$0x3], $0x80, s6, s1, $0xb8;
	[tilespmem:$0x1F780] =	vst v63  }
0x7c: {  	_ =	swait.ge [sflag:s29], $0x2800  }
0x7d: {  	[sflag:s29] =	ssyncset.done $0x0  }
0x7e: {  	s6 =	simm.s32 $0x100;
	[sflag:s29] =	ssyncadd.s32 $0xFFFFD800  }
.LBB2_4:
0x7f: {  	s8 =	sshra.s32 s6, $0x2  }
0x80: {  	v1 =	vld [tilespmem:s8+$0xFFFFFFC0];
	_ =	sdelay $0x7  }
0x81: {  	[tilespmem:v1+s30+$0x0] =	vst.idx.add.f32.msk $0xffff, v0  }
0x82: {  	v1 =	vld [tilespmem:s8+$0xFFFFFFD0];
	_ =	sdelay $0x7  }
0x83: {  	[tilespmem:v1+s30+$0x0] =	vst.idx.add.f32.msk $0xffff, v0  }
0x84: {  	v1 =	vld [tilespmem:s8+$0xFFFFFFE0];
	_ =	sdelay $0x7  }
0x85: {  	[tilespmem:v1+s30+$0x0] =	vst.idx.add.f32.msk $0xffff, v0  }
0x86: {  	v1 =	vld [tilespmem:s8+$0xFFFFFFF0];
	_ =	sdelay $0x7  }
0x87: {  	[tilespmem:v1+s30+$0x0] =	vst.idx.add.f32.msk $0xffff, v0  }
0x88: {  	v1 =	vld [tilespmem:s8+$0x0];
	_ =	sdelay $0x2  }
0x89: {  	p0 =	sne.s32 s6, $0xF900  }
.Ltmp1:
0x8a: {  	_ = 	snop;
	(pc) =	sbr.rel @p0 .LBB2_4-.Ltmp1, $2  }
0x8b: {  	_ =	sdelay $0x2  }
0x8c: {  	s6 =	sadd.s32 $0x200, s6;
	[tilespmem:v1+s30+$0x0] =	vst.idx.add.f32.msk $0xffff, v0  }
0x8d: {  	[bflag:$0x0] =	sbarrier.arrive $0xFFFF  }
0x8e: {  	[tilespmem:s28], [sflag:$0x3] =	stream.linear.gather [spmem:s17], $0x2800, $0x38;
	[tilespmem:$0x1F780] =	vst v63  }
0x8f: {  	_ =	swait.ge [sflag:s29], $0x2800  }
0x90: {  	[sflag:s29] =	ssyncset.done $0x0  }
0x91: {  	s6 =	rddreg [dreg:$0x7];
	[sflag:s29] =	ssyncadd.s32 $0xFFFFD800  }
0x92: {  	[hbm4b:s6+s4] =	stream.linear.scatter [tilespmem:s28], [sflag:$0x3], $0x2800, $0x38;
	[tilespmem:$0x1F780] =	vst v63  }
0x93: {  	_ =	swait.ge [sflag:s29], $0x2800  }
0x94: {  	[sflag:s29] =	ssyncset.done $0x0  }
0x95: {  	[sflag:s29] =	ssyncadd.s32 $0xFFFFD800  }
0x96: {  	[tilespmem:s28], [sflag:$0x3] =	stream.linear.gather [spmem:s19], $0x2800, $0x38;
	[tilespmem:$0x1F780] =	vst v63  }
0x97: {  	_ =	swait.ge [sflag:s29], $0x2800  }
0x98: {  	[sflag:s29] =	ssyncset.done $0x0  }
0x99: {  	s26 =	rddreg [dreg:$0x8];
	[sflag:s29] =	ssyncadd.s32 $0xFFFFD800  }
0x9a: {  	[hbm4b:s26+s4] =	stream.linear.scatter [tilespmem:s28], [sflag:$0x3], $0x2800, $0x38;
	[tilespmem:$0x1F780] =	vst v63  }
0x9b: {  	_ =	swait.ge [sflag:s29], $0x2800  }
0x9c: {  	[sflag:s29] =	ssyncset.done $0x0  }
0x9d: {  	[sflag:s29] =	ssyncadd.s32 $0xFFFFD800  }
0x9e: {  	[tilespmem:s28], [sflag:$0x3] =	stream.linear.gather [spmem:s20], $0x2800, $0x38;
	[tilespmem:$0x1F780] =	vst v63  }
0x9f: {  	_ =	swait.ge [sflag:s29], $0x2800  }
0xa0: {  	[sflag:s29] =	ssyncset.done $0x0  }
0xa1: {  	s8 =	rddreg [dreg:$0x9];
	[sflag:s29] =	ssyncadd.s32 $0xFFFFD800  }
0xa2: {  	[hbm4b:s8+s4] =	stream.linear.scatter [tilespmem:s28], [sflag:$0x3], $0x2800, $0x38;
	[tilespmem:$0x1F780] =	vst v63  }
0xa3: {  	_ =	swait.ge [sflag:s29], $0x2800  }
0xa4: {  	[sflag:s29] =	ssyncset.done $0x0  }
0xa5: {  	[sflag:s29] =	ssyncadd.s32 $0xFFFFD800  }
0xa6: {  	[tilespmem:s28], [sflag:$0x3] =	stream.linear.gather [spmem:s21], $0x2800, $0x38;
	[tilespmem:$0x1F780] =	vst v63  }
0xa7: {  	_ =	swait.ge [sflag:s29], $0x2800  }
0xa8: {  	[sflag:s29] =	ssyncset.done $0x0  }
0xa9: {  	s9 =	rddreg [dreg:$0xa];
	[sflag:s29] =	ssyncadd.s32 $0xFFFFD800  }
0xaa: {  	[hbm4b:s9+s4] =	stream.linear.scatter [tilespmem:s28], [sflag:$0x3], $0x2800, $0x38;
	[tilespmem:$0x1F780] =	vst v63  }
0xab: {  	_ =	swait.ge [sflag:s29], $0x2800  }
0xac: {  	[sflag:s29] =	ssyncset.done $0x0  }
0xad: {  	[sflag:s29] =	ssyncadd.s32 $0xFFFFD800  }
0xae: {  	[tilespmem:s28], [sflag:$0x3] =	stream.linear.gather [spmem:s22], $0x2800, $0x38;
	[tilespmem:$0x1F780] =	vst v63  }
0xaf: {  	_ =	swait.ge [sflag:s29], $0x2800  }
0xb0: {  	[sflag:s29] =	ssyncset.done $0x0  }
0xb1: {  	[sflag:s29] =	ssyncadd.s32 $0xFFFFD800  }
0xb2: {  	[hbm4b:s10+s4] =	stream.linear.scatter [tilespmem:s28], [sflag:$0x3], $0x2800, $0x38;
	[tilespmem:$0x1F780] =	vst v63  }
0xb3: {  	_ =	swait.ge [sflag:s29], $0x2800  }
0xb4: {  	[sflag:s29] =	ssyncset.done $0x0  }
0xb5: {  	[sflag:s29] =	ssyncadd.s32 $0xFFFFD800  }
0xb6: {  	[tilespmem:s28], [sflag:$0x3] =	stream.linear.gather [spmem:s23], $0x2800, $0x38;
	[tilespmem:$0x1F780] =	vst v63  }
0xb7: {  	_ =	swait.ge [sflag:s29], $0x2800  }
0xb8: {  	[sflag:s29] =	ssyncset.done $0x0  }
0xb9: {  	[sflag:s29] =	ssyncadd.s32 $0xFFFFD800  }
0xba: {  	[hbm4b:s11+s4] =	stream.linear.scatter [tilespmem:s28], [sflag:$0x3], $0x2800, $0x38;
	[tilespmem:$0x1F780] =	vst v63  }
0xbb: {  	_ =	swait.ge [sflag:s29], $0x2800  }
0xbc: {  	[sflag:s29] =	ssyncset.done $0x0  }
0xbd: {  	[sflag:s29] =	ssyncadd.s32 $0xFFFFD800  }
0xbe: {  	[tilespmem:s28], [sflag:$0x3] =	stream.linear.gather [spmem:s24], $0x2800, $0x38;
	[tilespmem:$0x1F780] =	vst v63  }
0xbf: {  	_ =	swait.ge [sflag:s29], $0x2800  }
0xc0: {  	[sflag:s29] =	ssyncset.done $0x0  }
0xc1: {  	[sflag:s29] =	ssyncadd.s32 $0xFFFFD800  }
0xc2: {  	[hbm4b:s12+s4] =	stream.linear.scatter [tilespmem:s28], [sflag:$0x3], $0x2800, $0x38;
	[tilespmem:$0x1F780] =	vst v63  }
0xc3: {  	_ =	swait.ge [sflag:s29], $0x2800  }
0xc4: {  	[sflag:s29] =	ssyncset.done $0x0  }
0xc5: {  	[sflag:s29] =	ssyncadd.s32 $0xFFFFD800  }
0xc6: {  	[tilespmem:s28], [sflag:$0x3] =	stream.linear.gather [spmem:s25], $0x2800, $0x38;
	[tilespmem:$0x1F780] =	vst v63  }
0xc7: {  	_ =	swait.ge [sflag:s29], $0x2800  }
0xc8: {  	[sflag:s29] =	ssyncset.done $0x0  }
0xc9: {  	[sflag:s29] =	ssyncadd.s32 $0xFFFFD800  }
0xca: {  	[hbm4b:s13+s4] =	stream.linear.scatter [tilespmem:s28], [sflag:$0x3], $0x2800, $0x38;
	[tilespmem:$0x1F780] =	vst v63  }
0xcb: {  	s5 =	sadd.s32 $0x1, s5;
	_ =	swait.ge [sflag:s29], $0x2800  }
0xcc: {  	p0 =	sne.s32 s5, s18;
	s26 =	simm.s32 $0x80;
	[sflag:s29] =	ssyncset.done $0x0  }
.Ltmp2:
0xcd: {  	s8 =	simm.s32 $0x400;
	[sflag:s29] =	ssyncadd.s32 $0xFFFFD800;
	(pc) =	sbr.rel @p0 .LBB2_1-.Ltmp2, $4  }
0xce: {  	[hbm4b:s16+s26] =	stream.strided.scatter [tilespmem:s30], [sflag:$0x3], $0x2780, s8, s26, $0x38;
	[tilespmem:$0x1F780] =	vst v63  }
0xcf: {  	_ =	swait.ge [sflag:s29], $0x2780  }
0xd0: {  	[sflag:s29] =	ssyncset.done $0x0  }
0xd1: {  	[sflag:s29] =	ssyncadd.s32 $0xFFFFD880  }
0xd2: {  	_ =	sfence.sel $0x180000  }
0xd3: {  	[bflag:$0x0] =	sbarrier.arrive $0xFFFF  }
0xd4: {  	_ =	strace $0x90000047  }
0xd5: {  	s0 =	stileid.u32;
	[bflag:$0x2] =	sbarrier.arrive $0xFFFF  }
0xd6: {  	p0 =	sne.s32 s0, $0x0;
	s0 =	rddreg [dreg:$0x5]  }
0xd7: {  	s0 =	sadd.s32 @!p0 $0x100000, s0  }
0xd8: {  	[sflag:s0] =	ssyncadd.tile.s32 @!p0 $0x1;
	_ =	shalt  }
.Lfunc_end2:
_tile_overlayer_lowered:
.L_overlay_start_2:
0xd9: {  	(tag) =	ssettag $0x2  }
0xda: {  	s0 =	rddreg [dreg:$0x0];
	s2 =	stileid.u32  }
0xdb: {  	s1 =	rddreg [dreg:$0x1];
	p0 =	sne.s32 s2, $0x0  }
0xdc: {  	s3 =	rddreg [dreg:$0x2];
	[bflag:$0x3] =	sbarrier.arrive $0xFFFF;
	s2 =	simm.s32 @!p0 $0x1C03  }
0xdd: {  	[timem:s3], [sflag:s2] =	dma.local @!p0 [hbm:s0], s1  }
0xde: {  	s0 =	simm.s32 @!p0 $0x3  }
0xdf: {  	_ =	swait.ge @!p0 [sflag:s0], s1  }
0xe0: {  	s1 =	ssub.s32 @!p0 $0x0, s1;
	[sflag:s0] =	ssyncset.done @!p0 $0x0  }
0xe1: {  	[sflag:s0] =	ssyncadd.s32 @!p0 s1  }
0xe2: {  	[bflag:$0x3] =	sbarrier.arrive $0xFFFF  }
0xe3: {  	_ =	shalt  }

// kernel: kernel.8.cloned.1.call-start
scs
__scs_entry_jumppad:
0x0: {  	(pc) =	sbr.rel $0x88, $3  }
0x1: {  	(tag) =	ssettag $0x0;
	lr =	simm.s32 $0x1  }
0x2: {  	[smem:$0x3F98] =	sst lr;
	_ =	strace $0xD0000000  }
0x3: {  	_ = 	snop  }
0x4: {  	_ = 	snop  }
0x5: {  	_ = 	snop  }
0x6: {  	_ = 	snop  }
0x7: {  	_ = 	snop  }
__scs_overlays_trampoline_lowered:
0x8: {  	[smem:$0x3FA7] =	sst s0  }
0x9: {  	[smem:$0x3FA8] =	sst s1  }
0xa: {  	[smem:$0x3FA9] =	sst s2  }
0xb: {  	[smem:$0x3FAA] =	sst s3  }
0xc: {  	[smem:$0x3FAB] =	sst s4  }
0xd: {  	[smem:$0x3FAC] =	sst s5  }
0xe: {  	[smem:$0x3FAD] =	sst s6  }
0xf: {  	[smem:$0x3FAE] =	sst s7  }
0x10: {  	[smem:$0x3FAF] =	sst s8  }
0x11: {  	[smem:$0x3FB0] =	sst s9;
	s0 =	simm.s32 @!p0 $0x0  }
0x12: {  	s1 =	sld [smem:$0x3F96];
	s0 =	simm.s32 @p0 $0x1  }
0x13: {  	[smem:$0x3FB1] =	sst s0;
	s0 =	simm.s32 @!p1 $0x0  }
0x14: {  	s2 =	sld [smem:$0x3F95];
	s0 =	simm.s32 @p1 $0x1  }
0x15: {  	[smem:$0x3FB2] =	sst s0;
	s0 =	simm.s32 @!p2 $0x0  }
0x16: {  	s3 =	sld [smem:$0x3FDB];
	s0 =	simm.s32 @p2 $0x1  }
0x17: {  	s4 =	simm.s32 $0x1BF5;
	[smem:$0x3FB4] =	sst s0  }
0x18: {  	s0 =	sld [smem:$0x3F97];
	_ =	swait.ge [sflag:s4], $0x0  }
0x19: {  	s7 =	sld [smem:$0x3F98]  }
0x1a: {  	s8 =	sadd.s32 $0xFFFFE003, lr  }
0x1b: {  	s9 =	sadd.s32 $0xFFFFFEF7, lr;
	s5 =	simm.s32 $0xFFFFFFFF;
	p2 =	slt.u32 s8, $0xFFFFF086  }
0x1c: {  	p1 =	slt.u32 s9, $0xF7A;
	s5 =	simm.s32 @!p2 $0x0  }
0x1d: {  	s5 =	simm.s32 @p1 $0x1;
	p0 =	seq.s32 s7, s2  }
0x1e: {  	s7 =	smul.u32 @!p0 $0xF7A, s2;
	p2 =	seq.s32 @!p0 s5, $0x0  }
0x1f: {  	s9 =	smul.u32 $0xF7A, s1;
	s8 =	simm.s32 @!p0 $0x1BF5;
	p2 =	por !p2, p0  }
0x20: {  	[sflag:s8] =	ssyncset.s32 @!p0 $0xFFFFF086;
	s6 =	sadd.s32 @!p0 s3, s7;
	s7 =	simm.s32 @!p0 $0x108  }
0x21: {  	s3 =	sadd.s32 s3, s9;
	s6 =	sadd.s32 @!p0 $0x88, s6;
	s7 =	simm.s32 @p2 $0x1082  }
0x22: {  	[simem:s7], [sflag:s8] =	dma.local @!p0 [hbm:s6], $0xF7A  }
0x23: {  	s9 =	sor.u32 $0xD0000000, s2;
	s6 =	simm.s32 $0x108;
	_ =	swait.ge @!p0 [sflag:s8], $0x0  }
0x24: {  	s3 =	sadd.s32 $0x88, s3;
	s6 =	simm.s32 @!p1 $0x1082;
	[sflag:s4] =	ssyncset.s32 $0xFFFFF086  }
0x25: {  	[simem:s6], [sflag:s4] =	dma.local [hbm:s3], $0xF7A  }
0x26: {  	[smem:$0x3F98] =	sst s1;
	(tag) =	ssettag s2;
	_ =	strace s9  }
0x27: {  	s1 =	sld [smem:$0x3FA8]  }
0x28: {  	s2 =	sld [smem:$0x3FA9]  }
0x29: {  	s4 =	sld [smem:$0x3FAB]  }
0x2a: {  	p0 =	seq.s32 s5, $0x0;
	s5 =	sld [smem:$0x3FAC]  }
0x2b: {  	s6 =	sld [smem:$0x3FAD]  }
0x2c: {  	s7 =	sld [smem:$0x3FAE]  }
0x2d: {  	s3 =	simm.s32 $0x108;
	s8 =	sld [smem:$0x3FAF]  }
0x2e: {  	s3 =	simm.s32 @!p0 $0x1082;
	s9 =	sld [smem:$0x3FB0]  }
0x2f: {  	lr =	sadd.s32 s0, s3;
	s0 =	sld [smem:$0x3FA7]  }
0x30: {  	s3 =	sld [smem:$0x3FAA]  }
0x31: {  	[smem:$0x3FB3] =	sst s10  }
0x32: {  	s10 =	sld [smem:$0x3FB1];
	_ =	sdelay $0x3  }
0x33: {  	p0 =	seq.s32 s10, $0x1;
	s10 =	sld [smem:$0x3FB3];
	_ =	sdelay $0x3  }
0x34: {  	[smem:$0x3FB3] =	sst s10  }
0x35: {  	s10 =	sld [smem:$0x3FB2];
	_ =	sdelay $0x3  }
0x36: {  	p1 =	seq.s32 s10, $0x1;
	s10 =	sld [smem:$0x3FB3];
	_ =	sdelay $0x3  }
0x37: {  	[smem:$0x3FB3] =	sst s10  }
0x38: {  	s10 =	sld [smem:$0x3FB4]  }
0x39: {  	_ = 	snop;
	(pc) =	sbr.ind lr, $3  }
0x3a: {  	_ = 	snop  }
0x3b: {  	_ = 	snop  }
0x3c: {  	p2 =	seq.s32 s10, $0x1;
	s10 =	sld [smem:$0x3FB3]  }
0x3d: {  	_ =	shalt  }
0x3e: {  	_ =	shalt  }
0x3f: {  	_ =	shalt  }
0x40: {  	_ =	shalt  }
0x41: {  	_ =	shalt  }
0x42: {  	_ =	shalt  }
0x43: {  	_ =	shalt  }
0x44: {  	_ =	shalt  }
0x45: {  	_ =	shalt  }
0x46: {  	_ =	shalt  }
0x47: {  	_ =	shalt  }
0x48: {  	_ =	shalt  }
0x49: {  	_ =	shalt  }
0x4a: {  	_ =	shalt  }
0x4b: {  	_ =	shalt  }
0x4c: {  	_ =	shalt  }
0x4d: {  	_ =	shalt  }
0x4e: {  	_ =	shalt  }
0x4f: {  	_ =	shalt  }
0x50: {  	_ =	shalt  }
0x51: {  	_ =	shalt  }
0x52: {  	_ =	shalt  }
0x53: {  	_ =	shalt  }
0x54: {  	_ =	shalt  }
0x55: {  	_ =	shalt  }
0x56: {  	_ =	shalt  }
0x57: {  	_ =	shalt  }
0x58: {  	_ =	shalt  }
0x59: {  	_ =	shalt  }
0x5a: {  	_ =	shalt  }
0x5b: {  	_ =	shalt  }
0x5c: {  	_ =	shalt  }
0x5d: {  	_ =	shalt  }
0x5e: {  	_ =	shalt  }
0x5f: {  	_ =	shalt  }
0x60: {  	_ =	shalt  }
0x61: {  	_ =	shalt  }
0x62: {  	_ =	shalt  }
0x63: {  	_ =	shalt  }
0x64: {  	_ =	shalt  }
0x65: {  	_ =	shalt  }
0x66: {  	_ =	shalt  }
0x67: {  	_ =	shalt  }
0x68: {  	_ =	shalt  }
0x69: {  	_ =	shalt  }
0x6a: {  	_ =	shalt  }
0x6b: {  	_ =	shalt  }
0x6c: {  	_ =	shalt  }
0x6d: {  	_ =	shalt  }
0x6e: {  	_ =	shalt  }
0x6f: {  	_ =	shalt  }
0x70: {  	_ =	shalt  }
0x71: {  	_ =	shalt  }
0x72: {  	_ =	shalt  }
0x73: {  	_ =	shalt  }
0x74: {  	_ =	shalt  }
0x75: {  	_ =	shalt  }
0x76: {  	_ =	shalt  }
0x77: {  	_ =	shalt  }
0x78: {  	_ =	shalt  }
0x79: {  	_ =	shalt  }
0x7a: {  	_ =	shalt  }
0x7b: {  	_ =	shalt  }
0x7c: {  	_ =	shalt  }
0x7d: {  	_ =	shalt  }
0x7e: {  	_ =	shalt  }
0x7f: {  	_ =	shalt  }
0x80: {  	_ =	shalt  }
0x81: {  	_ =	shalt  }
0x82: {  	_ =	shalt  }
0x83: {  	_ =	shalt  }
0x84: {  	_ =	shalt  }
0x85: {  	_ =	shalt  }
0x86: {  	_ =	shalt  }
0x87: {  	_ =	shalt  }
.Lfunc_end0:
.L_simem_size_0:
called_computation.1_lowered:
.L_overlay_start_0:
0x88: {  	s2 =	sld [smem:$0x3FD9]  }
0x89: {  	s3 =	sld [smem:$0x3FFE];
	_ =	sdelay $0x1  }
0x8a: {  	s1 =	srdreg.scid  }
0x8b: {  	s0 =	sand.u32 $0x1, s1  }
0x8c: {  	s14 =	sshll.u32 s0, $0xA;
	s2 =	sadd.s32 s3, s2  }
0x8d: {  	s2 =	sadd.s32 s2, s14  }
0x8e: {  	[smem:$0x3FBF] =	sst s2  }
0x8f: {  	_ = 	snop  }
0x90: {  	s2 =	sld [smem:$0x3FD0];
	_ =	sdelay $0x2  }
0x91: {  	s15 =	simm.s32 $0xA;
	s4 =	simm.s32 $0x10  }
0x92: {  	[smem:s4], [sflag:s15] =	dma.local [hbm:s2], $0x1  }
0x93: {  	_ =	swait.eq [sflag:s15], $0x1  }
0x94: {  	[sflag:s15] =	ssyncset.done $0x0  }
0x95: {  	s16 =	sld [smem:$0x10];
	[sflag:s15] =	ssyncadd.s32 $0xFFFFFFFF  }
0x96: {  	s17 =	sld [smem:$0x11];
	(tm) =	ssettm $0x1  }
0x97: {  	s18 =	sld [smem:$0x3FFB];
	_ =	sdelay $0x3  }
0x98: {  	_ =	strace s18  }
0x99: {  	s4 =	sld [smem:$0x3FFC];
	_ =	sdelay $0x3  }
0x9a: {  	_ =	strace s4  }
0x9b: {  	s4 =	sld [smem:$0x3FFD];
	_ =	sdelay $0x3  }
0x9c: {  	_ =	strace s4  }
0x9d: {  	_ =	strace $0x8FFFFFFF  }
0x9e: {  	s19 =	sld [smem:$0x3FDB];
	_ =	sdelay $0x1  }
0x9f: {  	s5 =	simm.s32 $_scs_section_size  }
0xa0: {  	s6 =	simm.s32 $_size__tile_overlayer_lowered;
	s7 =	simm.s32 $_tile_overlayer_lowered  }
0xa1: {  	s22 =	simm.s32 $0x1BFF;
	s21 =	sshll.u32 s7, $0x1;
	s4 =	sadd.s32 s5, s19  }
0xa2: {  	s8 =	simm.s32 $0x0;
	s20 =	sshll.u32 s6, $0x1;
	s6 =	sadd.s32 s21, s4  }
0xa3: {  	[timem:s8], [sflag:s22] =	dma.local [hbm:s6], s20  }
0xa4: {  	_ =	swait.ge [sflag:s22], s20  }
0xa5: {  	s5 =	ssub.s32 $0x0, s20;
	[sflag:s22] =	ssyncset.done $0x0  }
0xa6: {  	[sflag:s22] =	ssyncadd.s32 s5;
	_ =	sdelay $0x1  }
0xa7: {  	s23 =	simm.s32 $0x1B8B  }
0xa8: {  	_ =	swait.ge [sflag:s23], $0x1  }
0xa9: {  	[sflag:s23] =	ssyncset.done $0x0  }
0xaa: {  	s25 =	simm.s32 $0x1B8E;
	s24 =	sld [smem:$0x3FFE];
	[sflag:s23] =	ssyncadd.s32 $0xFFFFFFFF  }
0xab: {  	s26 =	simm.s32 $execute0_lowered;
	[smem:$0x3FD2] =	sst s25  }
0xac: {  	s6 =	sshll.u32 s26, $0x1;
	_ =	strace $0x80000049;
	[dreg:$0x1] =	wrdreg $0xFFFFFFFF  }
0xad: {  	s28 =	simm.s32 $_size_execute0_lowered;
	s4 =	sadd.s32 s4, s6;
	[dreg:$0x0] =	wrdreg $0x0  }
0xae: {  	s6 =	sshll.u32 s28, $0x1;
	[dreg:$0x2] =	wrdreg s4  }
0xaf: {  	[dreg:$0x3] =	wrdreg s6  }
0xb0: {  	[dreg:$0x4] =	wrdreg $0xC0  }
0xb1: {  	_ =	task [dreg:s8], $0x5FFFF  }
0xb2: {  	[dreg:$0x1] =	wrdreg $0xFFFFFFFF  }
0xb3: {  	[dreg:$0x0] =	wrdreg $0x60  }
0xb4: {  	[dreg:$0x2] =	wrdreg s24  }
0xb5: {  	[dreg:$0x3] =	wrdreg s17  }
0xb6: {  	[dreg:$0x4] =	wrdreg s16  }
0xb7: {  	[dreg:$0x5] =	wrdreg $0x9  }
0xb8: {  	_ =	task.clear_ibuf [dreg:s8], $0x6FFFF;
	_ =	strace $0x90000049  }
0xb9: {  	s29 =	simm.s32 $0x9;
	_ =	strace $0x8000004B  }
0xba: {  	_ =	swait.ge [sflag:s29], $0x1  }
0xbb: {  	[sflag:s29] =	ssyncadd.s32 $0xFFFFFFFF  }
0xbc: {  	_ =	strace $0x9000004B  }
0xbd: {  	_ =	sfence  }
0xbe: {  	s30 =	sld [smem:$0x0];
	_ =	sdelay $0x2  }
0xbf: {  	s31 =	sshll.u32 s1, $0xD;
	s1 =	sshrl.u32 s1, $0x2  }
0xc0: {  	s3 =	sand.u32 $0x4000, s31;
	s1 =	sadd.s32 s1, s30  }
0xc1: {  	s0 =	sor.u32 s3, s0;
	s1 =	sshll.u32 s1, $0x11  }
0xc2: {  	s0 =	sor.u32 s1, s0  }
0xc3: {  	s0 =	sadd.s32 $0x8F2B, s0  }
0xc4: {  	[sflag:s0] =	ssyncadd.remote.s32 $0x1  }
0xc5: {  	_ =	sfence.sel $0xFFFF  }
0xc6: {  	[dreg:$0x0] =	wrdreg $0xFFFFFFFF;
	(pc) =	sbr.abs _section_cstart, $3  }
0xc7: {  	[dreg:$0x1] =	wrdreg $0xFFFFFFFF  }
0xc8: {  	_ =	task.clear_ibuf [dreg:s8], $0x2FFFF;
	_ =	strace $0x9FFFFFFF  }
0xc9: {  	(tm) =	ssettm $0x7FFFFFFF  }
tec
execute0_lowered:
.L_overlay_start_1:
0x0: {  	(tag) =	ssettag $0x1  }
0x1: {  	s0 =	rddreg [dreg:$0x0]  }
0x2: {  	s1 =	rddreg [dreg:$0x1];
	s2 =	srdreg.scid  }
0x3: {  	s11 =	stileid.u32;
	s4 =	rddreg [dreg:$0x2]  }
0x4: {  	s15 =	simm.s32 $0x80;
	s16 =	simm.s32 $0x400;
	s28 =	simm.s32 $0x2  }
0x5: {  	s29 =	simm.s32 $0x7800;
	s30 =	simm.s32 $0x3;
	s31 =	simm.s32 $0x4  }
0x6: {  	s5 =	sand.u32 $0x1, s2;
	s17 =	sshll.u32 s11, $0x1;
	s22 =	smul.u32 $0x4E2000, s11  }
0x7: {  	s3 =	sshrl.u32 s11, $0x2;
	s2 =	simm.s32 $0x0;
	s24 =	smul.u32 $0x9C400, s11  }
0x8: {  	s12 =	sadd.s32 $0x1800, s0;
	s6 =	sor.u32 s5, s17;
	s3 =	smul.u32 $0x13C00, s3  }
0x9: {  	[smem:$0x7FF] =	sst s2;
	s8 =	ssub.s32 $0x2, s5;
	s13 =	smul.u32 $0x271000, s5  }
0xa: {  	s5 =	smul.u32 $0x4E200, s5;
	s17 =	simm.s32 $0xEF00;
	s7 =	sshll.u32 s6, $0x7  }
0xb: {  	_ =	strace $0x8000004A;
	s9 =	sshrl.u32 s8, $0x1;
	s10 =	smul.u32 $0x271000, s6  }
0xc: {  	[dreg:$0x4] =	wrdreg s12;
	s6 =	smul.u32 $0x2710, s6;
	s7 =	sand.u32 $0x380, s7  }
0xd: {  	s18 =	ssub.s32 s8, s9;
	s25 =	sadd.s32 s13, s22;
	s22 =	simm.s32 $0x50  }
0xe: {  	s7 =	sor.u32 s3, s7;
	s3 =	sadd.s32 $0x2F200, s0;
	s20 =	sshrl.u32 s10, $0x3  }
0xf: {  	s6 =	sshrl.u32 s6, $0x3;
	s11 =	smax.u32 s18, $0x1;
	s26 =	sadd.s32 $0x5400, s25  }
0x10: {  	s18 =	simm.s32 $0x5;
	s7 =	sshrl.u32 s7, $0x3;
	s21 =	sadd.s32 s1, s20  }
0x11: {  	s10 =	sadd.s32 s4, s6;
	s4 =	sadd.s32 s24, s1;
	s6 =	sshrl.u32 s26, $0x3  }
0x12: {  	s20 =	simm.s32 $0xA000;
	s24 =	simm.s32 $0x1;
	s26 =	simm.s32 $0x800  }
0x13: {  	s7 =	sadd.s32 s7, s0;
	s0 =	sadd.s32 $0x1200, s0;
	s23 =	sadd.s32 $0x4D800, s21  }
0x14: {  	s9 =	sadd.s32 $0x4D880, s21;
	s4 =	sadd.s32 s5, s4;
	s5 =	sadd.s32 s6, s1  }
0x15: {  	s21 =	simm.s32 $0xC780;
	[dreg:$0x5] =	wrdreg s0;
	s19 =	sadd.s32 $0x1B600, s7  }
0x16: {  	s7 =	sadd.s32 $0x25400, s7;
	[dreg:$0x8] =	wrdreg s23;
	s0 =	sadd.s32 $0x5000, s25  }
0x17: {  	s14 =	sadd.s32 $0x80, s4;
	s23 =	simm.s32 $0x2800;
	[dreg:$0x6] =	wrdreg s19  }
0x18: {  	s25 =	simm.s32 $0x5000;
	[dreg:$0x7] =	wrdreg s7;
	s0 =	sshrl.u32 s0, $0x3  }
0x19: {  	s19 =	simm.s32 $0x11680;
	s6 =	sadd.s32 s0, s1;
	s0 =	simm.s32 $0x0  }
.LBB2_1:
0x1a: {  	s1 =	rddreg [dreg:$0x6]  }
0x1b: {  	[tilespmem:s17], [sflag:$0x5] =	stream.strided.gather [hbm4b:s1+s15], $0x2780, s16, s15, $0x38;
	[tilespmem:$0x16580] =	vst v63  }
0x1c: {  	_ =	swait.ge [sflag:s18], $0x2780  }
0x1d: {  	[sflag:s18] =	ssyncset.done $0x0  }
0x1e: {  	s8 =	rddreg [dreg:$0x7];
	[sflag:s18] =	ssyncadd.s32 $0xFFFFD880  }
0x1f: {  	[tilespmem:s19], [sflag:$0x5] =	stream.strided.gather [hbm4b:s8+s15], $0x2780, s16, s15, $0x38;
	[tilespmem:$0x16580] =	vst v63  }
0x20: {  	_ =	swait.ge [sflag:s18], $0x2780  }
0x21: {  	[sflag:s18] =	ssyncset.done $0x0  }
0x22: {  	s12 =	rddreg [dreg:$0x4];
	[sflag:s18] =	ssyncadd.s32 $0xFFFFD880  }
0x23: {  	[tilespmem:s20], [sflag:$0x5] =	stream.linear.gather [hbm4b:s12+s2], $0x2780, $0x38;
	[tilespmem:$0x16580] =	vst v63  }
0x24: {  	_ =	swait.ge [sflag:s18], $0x2780  }
0x25: {  	[sflag:s18] =	ssyncset.done $0x0  }
0x26: {  	s13 =	rddreg [dreg:$0x5];
	[sflag:s18] =	ssyncadd.s32 $0xFFFFD880  }
0x27: {  	[tilespmem:s21], [sflag:$0x5] =	stream.linear.gather [hbm4b:s13+s2], $0x2780, $0x38;
	[tilespmem:$0x16580] =	vst v63  }
0x28: {  	_ =	swait.ge [sflag:s18], $0x2780  }
0x29: {  	[sflag:s18] =	ssyncset.done $0x0  }
0x2a: {  	[sflag:s18] =	ssyncadd.s32 $0xFFFFD880  }
0x2b: {  	[tilespmem:s2], [sflag:$0x1] =	stream.indirect.gather [hbm4b:s3+s22], $0x80, s17, s22, $0xb8;
	[tilespmem:$0x16580] =	vst v63  }
0x2c: {  	_ = 	snop  }
0x2d: {  	[tilespmem:s23], [sflag:$0x2] =	stream.indirect.gather [hbm4b:s3+s22], $0x80, s19, s22, $0xb8;
	[tilespmem:$0x16580] =	vst v63  }
0x2e: {  	_ =	swait.ge [sflag:s24], $0x2800  }
0x2f: {  	[sflag:s24] =	ssyncset.done $0x0  }
0x30: {  	s4 =	simm.s32 $0xEF50;
	[sflag:s24] =	ssyncadd.s32 $0xFFFFD800  }
0x31: {  	[tilespmem:s25], [sflag:$0x3] =	stream.indirect.gather [hbm4b:s3+s22], $0x80, s4, s22, $0xb8;
	[tilespmem:$0x16580] =	vst v63  }
0x32: {  	s7 =	sadd.s32 $0xFFFFFF80, s14  }
0x33: {  	[hbm4b:s7+s16] =	stream.strided.scatter [tilespmem:s2], [sflag:$0x5], $0x2800, s26, s16, $0x38;
	[tilespmem:$0x16580] =	vst v63  }
0x34: {  	_ =	swait.ge [sflag:s18], $0x2800  }
0x35: {  	[sflag:s18] =	ssyncset.done $0x0  }
0x36: {  	[sflag:s18] =	ssyncadd.s32 $0xFFFFD800  }
0x37: {  	_ =	swait.ge [sflag:s28], $0x2800  }
0x38: {  	[sflag:s28] =	ssyncset.done $0x0  }
0x39: {  	s8 =	simm.s32 $0x116D0;
	[sflag:s28] =	ssyncadd.s32 $0xFFFFD800  }
0x3a: {  	[tilespmem:s29], [sflag:$0x4] =	stream.indirect.gather [hbm4b:s3+s22], $0x80, s8, s22, $0xb8;
	[tilespmem:$0x16580] =	vst v63  }
0x3b: {  	_ = 	snop  }
0x3c: {  	[hbm4b:s14+s16] =	stream.strided.scatter [tilespmem:s23], [sflag:$0x5], $0x2800, s26, s16, $0x38;
	[tilespmem:$0x16580] =	vst v63  }
0x3d: {  	_ =	swait.ge [sflag:s18], $0x2800  }
0x3e: {  	[sflag:s18] =	ssyncset.done $0x0  }
0x3f: {  	[sflag:s18] =	ssyncadd.s32 $0xFFFFD800  }
0x40: {  	_ =	swait.ge [sflag:s30], $0x2800  }
0x41: {  	[sflag:s30] =	ssyncset.done $0x0  }
0x42: {  	s12 =	simm.s32 $0xEFA0;
	[sflag:s30] =	ssyncadd.s32 $0xFFFFD800  }
0x43: {  	[tilespmem:s2], [sflag:$0x1] =	stream.indirect.gather [hbm4b:s3+s22], $0x80, s12, s22, $0xb8;
	[tilespmem:$0x16580] =	vst v63  }
0x44: {  	_ = 	snop  }
0x45: {  	[hbm4b:s6+s16] =	stream.strided.scatter [tilespmem:s25], [sflag:$0x5], $0x2800, s26, s16, $0x38;
	[tilespmem:$0x16580] =	vst v63  }
0x46: {  	_ =	swait.ge [sflag:s18], $0x2800  }
0x47: {  	[sflag:s18] =	ssyncset.done $0x0  }
0x48: {  	[sflag:s18] =	ssyncadd.s32 $0xFFFFD800  }
0x49: {  	_ =	swait.ge [sflag:s31], $0x2800  }
0x4a: {  	[sflag:s31] =	ssyncset.done $0x0  }
0x4b: {  	s13 =	simm.s32 $0x11720;
	[sflag:s31] =	ssyncadd.s32 $0xFFFFD800  }
0x4c: {  	[tilespmem:s23], [sflag:$0x2] =	stream.indirect.gather [hbm4b:s3+s22], $0x80, s13, s22, $0xb8;
	[tilespmem:$0x16580] =	vst v63  }
0x4d: {  	_ = 	snop  }
0x4e: {  	[hbm4b:s5+s16] =	stream.strided.scatter [tilespmem:s29], [sflag:$0x5], $0x2800, s26, s16, $0x38;
	[tilespmem:$0x16580] =	vst v63  }
0x4f: {  	s1 =	simm.s32 $0x280;
	s4 =	sadd.s32 $0x1400, s14;
	_ =	swait.ge [sflag:s18], $0x2800  }
0x50: {  	s12 =	smov.u32 s5;
	s13 =	smov.u32 s6;
	[sflag:s18] =	ssyncset.done $0x0  }
.LBB2_2:
0x51: {  	[sflag:s18] =	ssyncadd.s32 $0xFFFFD800;
	s12 =	sadd.s32 $0x1400, s12;
	s13 =	sadd.s32 $0x1400, s13  }
0x52: {  	p0 =	sne.s32 s1, $0x9880;
	s7 =	smov.u32 s1;
	s1 =	sadd.s32 $0x280, s1  }
0x53: {  	_ =	swait.ge [sflag:s24], $0x2800  }
0x54: {  	s7 =	sshra.s32 s7, $0x2;
	[sflag:s24] =	ssyncset.done $0x0  }
0x55: {  	s8 =	sadd.s32 $0xEF50, s7;
	[sflag:s24] =	ssyncadd.s32 $0xFFFFD800  }
0x56: {  	[tilespmem:s25], [sflag:$0x3] =	stream.indirect.gather [hbm4b:s3+s22], $0x80, s8, s22, $0xb8;
	[tilespmem:$0x16580] =	vst v63  }
0x57: {  	s8 =	sadd.s32 $0xFFFFFF80, s4  }
0x58: {  	[hbm4b:s8+s16] =	stream.strided.scatter [tilespmem:s2], [sflag:$0x5], $0x2800, s26, s16, $0x38;
	[tilespmem:$0x16580] =	vst v63  }
0x59: {  	_ =	swait.ge [sflag:s18], $0x2800  }
0x5a: {  	[sflag:s18] =	ssyncset.done $0x0  }
0x5b: {  	[sflag:s18] =	ssyncadd.s32 $0xFFFFD800  }
0x5c: {  	_ =	swait.ge [sflag:s28], $0x2800  }
0x5d: {  	[sflag:s28] =	ssyncset.done $0x0  }
0x5e: {  	s8 =	sadd.s32 $0x116D0, s7;
	[sflag:s28] =	ssyncadd.s32 $0xFFFFD800  }
0x5f: {  	[tilespmem:s29], [sflag:$0x4] =	stream.indirect.gather [hbm4b:s3+s22], $0x80, s8, s22, $0xb8;
	[tilespmem:$0x16580] =	vst v63  }
0x60: {  	_ = 	snop  }
0x61: {  	[hbm4b:s4+s16] =	stream.strided.scatter [tilespmem:s23], [sflag:$0x5], $0x2800, s26, s16, $0x38;
	[tilespmem:$0x16580] =	vst v63  }
0x62: {  	_ =	swait.ge [sflag:s18], $0x2800  }
0x63: {  	[sflag:s18] =	ssyncset.done $0x0  }
0x64: {  	[sflag:s18] =	ssyncadd.s32 $0xFFFFD800  }
0x65: {  	_ =	swait.ge [sflag:s30], $0x2800  }
0x66: {  	[sflag:s30] =	ssyncset.done $0x0  }
0x67: {  	s8 =	sadd.s32 $0xEFA0, s7;
	[sflag:s30] =	ssyncadd.s32 $0xFFFFD800  }
0x68: {  	[tilespmem:s2], [sflag:$0x1] =	stream.indirect.gather [hbm4b:s3+s22], $0x80, s8, s22, $0xb8;
	[tilespmem:$0x16580] =	vst v63  }
0x69: {  	_ = 	snop  }
0x6a: {  	[hbm4b:s13+s16] =	stream.strided.scatter [tilespmem:s25], [sflag:$0x5], $0x2800, s26, s16, $0x38;
	[tilespmem:$0x16580] =	vst v63  }
0x6b: {  	_ =	swait.ge [sflag:s18], $0x2800  }
0x6c: {  	[sflag:s18] =	ssyncset.done $0x0  }
0x6d: {  	[sflag:s18] =	ssyncadd.s32 $0xFFFFD800  }
0x6e: {  	_ =	swait.ge [sflag:s31], $0x2800  }
0x6f: {  	[sflag:s31] =	ssyncset.done $0x0  }
0x70: {  	s7 =	sadd.s32 $0x11720, s7;
	[sflag:s31] =	ssyncadd.s32 $0xFFFFD800  }
0x71: {  	[tilespmem:s23], [sflag:$0x2] =	stream.indirect.gather [hbm4b:s3+s22], $0x80, s7, s22, $0xb8;
	[tilespmem:$0x16580] =	vst v63  }
.Ltmp0:
0x72: {  	_ = 	snop;
	(pc) =	sbr.rel @p0 .LBB2_2-.Ltmp0, $4  }
0x73: {  	_ = 	snop  }
0x74: {  	[hbm4b:s12+s16] =	stream.strided.scatter [tilespmem:s29], [sflag:$0x5], $0x2800, s26, s16, $0x38;
	[tilespmem:$0x16580] =	vst v63  }
0x75: {  	_ =	swait.ge [sflag:s18], $0x2800  }
0x76: {  	s4 =	sadd.s32 $0x1400, s4;
	[sflag:s18] =	ssyncset.done $0x0  }
0x77: {  	[sflag:s18] =	ssyncadd.s32 $0xFFFFD800  }
0x78: {  	_ =	swait.ge [sflag:s24], $0x2800  }
0x79: {  	[sflag:s24] =	ssyncset.done $0x0  }
0x7a: {  	s1 =	simm.s32 $0x0;
	s4 =	rddreg [dreg:$0x8];
	[sflag:s24] =	ssyncadd.s32 $0xFFFFD800  }
0x7b: {  	[hbm4b:s4+s16] =	stream.strided.scatter [tilespmem:s1], [sflag:$0x5], $0x2800, s26, s16, $0x38;
	[tilespmem:$0x16580] =	vst v63  }
0x7c: {  	_ =	swait.ge [sflag:s18], $0x2800  }
0x7d: {  	[sflag:s18] =	ssyncset.done $0x0  }
0x7e: {  	[sflag:s18] =	ssyncadd.s32 $0xFFFFD800  }
0x7f: {  	_ =	swait.ge [sflag:s28], $0x2800  }
0x80: {  	[sflag:s28] =	ssyncset.done $0x0  }
0x81: {  	[sflag:s28] =	ssyncadd.s32 $0xFFFFD800  }
0x82: {  	[hbm4b:s9+s16] =	stream.strided.scatter [tilespmem:s23], [sflag:$0x5], $0x2800, s26, s16, $0x38;
	[tilespmem:$0x16580] =	vst v63  }
0x83: {  	_ =	swait.ge [sflag:s18], $0x2800  }
0x84: {  	[sflag:s18] =	ssyncset.done $0x0  }
0x85: {  	s1 =	simm.s32 $0x0;
	[sflag:s18] =	ssyncadd.s32 $0xFFFFD800  }
0x86: {  	v0 =	vld [tilespmem:s1+$0x11680]  }
0x87: {  	v1 =	vld [tilespmem:s1+$0xEF00];
	_ =	sdelay $0x6  }
0x88: {  	v0 =	vld.idx.msk [tilespmem:v0+s21+$0x0], $0xffff  }
0x89: {  	s4 =	simm.s32 $0x10;
	v2 =	vld.idx.msk [tilespmem:v1+s20+$0x0], $0xffff  }
0x8a: {  	s12 =	simm.s32 $0x80;
	v1 =	vld [tilespmem:s4+$0x11680]  }
.LBB2_4:
0x8b: {  	p0 =	sne.s32 s12, $0x9C00;
	v3 =	vld [tilespmem:s4+$0xEF00];
	_ =	sdelay $0x3  }
0x8c: {  	v0 =	vadd.f32 v0, v2  }
.Ltmp1:
0x8d: {  	(pc) =	sbr.rel @p0 .LBB2_4-.Ltmp1, $4  }
0x8e: {  	[tilespmem:s1+$0x13E00] =	vst v0;
	s1 =	smov.u32 s4  }
0x8f: {  	v0 =	vld.idx.msk [tilespmem:v1+s21+$0x0], $0xffff  }
0x90: {  	s4 =	sshra.s32 s12, $0x2;
	v2 =	vld.idx.msk [tilespmem:v3+s20+$0x0], $0xffff  }
0x91: {  	s12 =	sadd.s32 $0x40, s12;
	v1 =	vld [tilespmem:s4+$0x11680]  }
0x92: {  	_ = 	snop  }
0x93: {  	v3 =	vld [tilespmem:s4+$0xEF00];
	_ =	sdelay $0x3  }
0x94: {  	v0 =	vadd.f32 v0, v2;
	_ =	sdelay $0x1  }
0x95: {  	[tilespmem:s1+$0x13E00] =	vst v0  }
0x96: {  	v0 =	vld.idx.msk [tilespmem:v1+s21+$0x0], $0xffff  }
0x97: {  	v63 =	vld.idx.msk [tilespmem:v3+s20+$0x0], $0xffff;
	_ =	sdelay $0x4  }
0x98: {  	s0 =	sadd.s32 $0x1, s0;
	v0 =	vadd.f32 v0, v63  }
0x99: {  	p0 =	sne.s32 s0, s11  }
.Ltmp2:
0x9a: {  	s13 =	simm.s32 $0x13E00;
	[tilespmem:s4+$0x13E00] =	vst v0;
	(pc) =	sbr.rel @p0 .LBB2_1-.Ltmp2, $4  }
0x9b: {  	[hbm4b:s10+s2] =	stream.linear.scatter [tilespmem:s13], [sflag:$0x5], $0x2710, $0x38;
	[tilespmem:$0x16580] =	vst v63  }
0x9c: {  	_ =	swait.ge [sflag:s18], $0x2710  }
0x9d: {  	[sflag:s18] =	ssyncset.done $0x0  }
0x9e: {  	[sflag:s18] =	ssyncadd.s32 $0xFFFFD8F0  }
0x9f: {  	_ =	sfence.sel $0x180000  }
0xa0: {  	[bflag:$0x0] =	sbarrier.arrive $0xFFFF  }
0xa1: {  	_ =	strace $0x9000004A  }
0xa2: {  	s0 =	stileid.u32;
	[bflag:$0x2] =	sbarrier.arrive $0xFFFF  }
0xa3: {  	p0 =	sne.s32 s0, $0x0;
	s0 =	rddreg [dreg:$0x3]  }
0xa4: {  	s0 =	sadd.s32 @!p0 $0x100000, s0  }
0xa5: {  	[sflag:s0] =	ssyncadd.tile.s32 @!p0 $0x1;
	_ =	shalt  }
.Lfunc_end2:
_tile_overlayer_lowered:
.L_overlay_start_2:
0xa6: {  	(tag) =	ssettag $0x2  }
0xa7: {  	s0 =	rddreg [dreg:$0x0];
	s2 =	stileid.u32  }
0xa8: {  	s1 =	rddreg [dreg:$0x1];
	p0 =	sne.s32 s2, $0x0  }
0xa9: {  	s3 =	rddreg [dreg:$0x2];
	[bflag:$0x3] =	sbarrier.arrive $0xFFFF;
	s2 =	simm.s32 @!p0 $0x1C05  }
0xaa: {  	[timem:s3], [sflag:s2] =	dma.local @!p0 [hbm:s0], s1  }
0xab: {  	s0 =	simm.s32 @!p0 $0x5  }
0xac: {  	_ =	swait.ge @!p0 [sflag:s0], s1  }
0xad: {  	s1 =	ssub.s32 @!p0 $0x0, s1;
	[sflag:s0] =	ssyncset.done @!p0 $0x0  }
0xae: {  	[sflag:s0] =	ssyncadd.s32 @!p0 s1  }
0xaf: {  	[bflag:$0x3] =	sbarrier.arrive $0xFFFF  }
0xb0: {  	_ =	shalt  }

</sc_bundles>
